<compile_context>
chip_gen: v7x
topology: tpu7x:2x2x1
jax: 0.10.2.dev20260603
libtpu: 0.0.44.dev20260713+nightly
codegen_flags: <defaults>
</compile_context>

<pallas_src>
import functools

import jax
import jax.numpy as jnp
from jax import lax
from jax.experimental import pallas as pl
from jax.experimental.pallas import tpu as pltpu
from jax.experimental.pallas import tpu_sc as plsc

_B = 1024
_F = 4 * 64 * 64
_C = 2048
_G = _F // _C
_NW = 32
_CHUNK = _B // _NW
_TBL = 1024
_F32MAX = 3.4028234663852886e38


def _sc_gather_body(stats_hbm, t_hbm, out_hbm, table_v, idx_v, out_v):
    wid = lax.axis_index("s") * 2 + lax.axis_index("c")
    base = wid * _CHUNK
    pltpu.sync_copy(stats_hbm, table_v)
    pltpu.sync_copy(t_hbm.at[pl.ds(base, _CHUNK)], idx_v)
    acc = jnp.zeros((16,), jnp.float32)
    cnt = jnp.zeros((16,), jnp.float32)
    for j in range(_TBL // 16):
        v = table_v[pl.ds(j * 16, 16)]
        isn = v != v
        acc = acc + jnp.where(isn, jnp.float32(0.0), v)
        cnt = cnt + jnp.where(isn, jnp.float32(0.0), jnp.float32(1.0))
    num = jnp.sum(acc)
    den = jnp.sum(cnt)
    mv = jnp.broadcast_to(num, (16,)) / jnp.broadcast_to(den, (16,))
    for j in range(_CHUNK // 16):
        iv = idx_v[pl.ds(j * 16, 16)]
        vals = plsc.load_gather(table_v, [iv])
        dist = mv / vals
        dist = jnp.where(dist != dist, jnp.float32(1.0), dist)
        dist = jnp.where(dist == jnp.inf, jnp.float32(_F32MAX), dist)
        dist = jnp.where(dist == -jnp.inf, jnp.float32(-_F32MAX), dist)
        out_v[pl.ds(j * 16, 16)] = dist
    pltpu.sync_copy(out_v, out_hbm.at[pl.ds(base, _CHUNK)])


@jax.jit
def _sc_gather(stats_pad, t32):
    mesh = plsc.VectorSubcoreMesh(core_axis_name="c", subcore_axis_name="s")
    k = functools.partial(
        pl.kernel,
        mesh=mesh,
        out_type=jax.ShapeDtypeStruct((_B,), jnp.float32),
        scratch_types=[
            pltpu.VMEM((_TBL,), jnp.float32),
            pltpu.VMEM((_CHUNK,), jnp.int32),
            pltpu.VMEM((_CHUNK,), jnp.float32),
        ],
        compiler_params=pltpu.CompilerParams(needs_layout_passes=False),
    )(_sc_gather_body)
    return k(stats_pad, t32)


def _tc_body(pred_ref, targ_ref,
             mse_ref, rmse_ref, tnorm_ref, pnorm_ref, r2_ref,
             dacc, pacc, tacc):
    i = pl.program_id(0)
    p = pred_ref[...]
    t = targ_ref[...]
    d = p - t
    dsum = jnp.sum(d * d, axis=0)
    psum = jnp.sum(p * p, axis=0)
    tsum = jnp.sum(t * t, axis=0)

    @pl.when(i == 0)
    def _init():
        dacc[...] = dsum
        pacc[...] = psum
        tacc[...] = tsum

    @pl.when(i > 0)
    def _acc():
        dacc[...] += dsum
        pacc[...] += psum
        tacc[...] += tsum

    @pl.when(i == _G - 1)
    def _finalize():
        inv = jnp.float32(1.0 / _F)
        mse = dacc[...] * inv
        pvar = pacc[...] * inv
        tvar = tacc[...] * inv
        mse_ref[...] = mse
        rmse_ref[...] = jnp.sqrt(mse)
        pnorm_ref[...] = jnp.sqrt(pvar)
        tnorm_ref[...] = jnp.sqrt(tvar)
        r2_ref[...] = 1.0 - mse / tvar


def _tc_stats(pred_t, targ_t):
    vec = jax.ShapeDtypeStruct((_B,), jnp.float32)
    return pl.pallas_call(
        _tc_body,
        grid=(_G,),
        in_specs=[
            pl.BlockSpec((_C, _B), lambda i: (i, 0)),
            pl.BlockSpec((_C, _B), lambda i: (i, 0)),
        ],
        out_specs=[
            pl.BlockSpec((_B,), lambda i: (0,)),
            pl.BlockSpec((_B,), lambda i: (0,)),
            pl.BlockSpec((_B,), lambda i: (0,)),
            pl.BlockSpec((_B,), lambda i: (0,)),
            pl.BlockSpec((_B,), lambda i: (0,)),
        ],
        out_shape=[vec, vec, vec, vec, vec],
        scratch_shapes=[
            pltpu.VMEM((_B,), jnp.float32),
            pltpu.VMEM((_B,), jnp.float32),
            pltpu.VMEM((_B,), jnp.float32),
        ],
        compiler_params=pltpu.CompilerParams(
            dimension_semantics=("arbitrary",)),
    )(pred_t, targ_t)


def _loss_body(mse_ref, dist_ref, loss_ref):
    loss_ref[...] = jnp.reshape(
        jnp.sum(mse_ref[...] * dist_ref[...]) * jnp.float32(1.0 / _B), (1, 1))


def _loss_combine(mse, dist):
    return pl.pallas_call(
        _loss_body,
        out_shape=jax.ShapeDtypeStruct((1, 1), jnp.float32),
    )(mse, dist)


def kernel(pred, target, stats_mse, t):
    pred_t = jnp.reshape(jnp.transpose(pred, (1, 2, 3, 0)), (_F, _B))
    targ_t = jnp.reshape(jnp.transpose(target, (1, 2, 3, 0)), (_F, _B))
    stats_pad = jnp.concatenate(
        [stats_mse.astype(jnp.float32),
         jnp.full((_TBL - stats_mse.shape[0],), jnp.nan, jnp.float32)])
    t32 = jnp.asarray(t, jnp.int32)
    dist = _sc_gather(stats_pad, t32)
    mse, rmse, tnorm, pnorm, r2 = _tc_stats(pred_t, targ_t)
    loss = _loss_combine(mse, dist)
    return (jnp.reshape(loss, ()), mse, rmse, tnorm, pnorm, r2)

# --- scband reference (transcript-rebuilt; emitter-appended) ---
"""Pipeline reference for scband-diffusion-stats-26920855011910 (READ-ONLY COPY).

The authoritative reference and input builder live on the scoring server;
editing this copy changes nothing except your own understanding.
"""

import jax, jax.numpy as jnp
import numpy as np

# bms = batch mean-square: mean of x**2 over all non-batch dims -> shape [B]
def bms(x):
    return jnp.mean(jnp.reshape(x, (x.shape[0], -1)) ** 2, axis=1)

STEPS = 1000
RENORMALIZE_LOSS = False


def setup_inputs(seed: int = 0) -> dict:
    key = jax.random.key(seed)
    k1, k2, k3, k4 = jax.random.split(key, 4)
    pred = jax.random.normal(k1, (1024, 4, 64, 64), dtype=jnp.float32)
    target = jax.random.normal(k2, (1024, 4, 64, 64), dtype=jnp.float32)
    t = jax.random.randint(k3, (1024,), 0, STEPS)
    # running per-timestep EMA stats buffer for key 'x/mse' (module state self.stats['x/mse'])
    stats_mse = jax.random.uniform(k4, (STEPS,), dtype=jnp.float32)
    return {"pred": pred, "target": target, "t": t, "stats_mse": stats_mse}


def reference(pred, target, stats_mse, t):
    # DiffusionStats.residual_metrics(pred, target, name='x', t)
    mse = bms(pred - target)
    rmse = mse ** 0.5
    p_norm = bms(pred) ** 0.5
    t_var = bms(target)
    t_norm = t_var ** 0.5
    r_squared = 1.0 - mse / t_var
    # get_loss_weights: gather per-sample weight from the [steps] stats table
    dist = jnp.nanmean(stats_mse) / jnp.take(stats_mse, t, axis=0)
    dist = jnp.nan_to_num(dist, nan=1.0)
    if RENORMALIZE_LOSS:
        loss = jnp.mean(mse)
    else:
        loss = jnp.mean(mse * dist)
    return (loss, mse, rmse, t_norm, p_norm, r_squared)

if __name__ == "__main__":
    import jax
    _d = setup_inputs()
    print(jax.jit(kernel)(*tuple(_d.values())))

</pallas_src>

<mosaic_0001>
#map = affine_map<(d0, d1) -> (0)>
module attributes {stable_mosaic.version = 14 : i64} {
  func.func @_sc_gather_body(%arg0: i32, %arg1: i32, %arg2: memref<1024xf32, #tpu.memory_space<hbm>>, %arg3: memref<1000xi32, #tpu.memory_space<hbm>>, %arg4: memref<1024xf32, #tpu.memory_space<hbm>>, %arg5: memref<1024xf32, #tpu.memory_space<vmem>>, %arg6: memref<32xi32, #tpu.memory_space<vmem>>, %arg7: memref<32xf32, #tpu.memory_space<vmem>>) attributes {dimension_semantics = [#tpu.dimension_semantics<core_parallel>, #tpu.dimension_semantics<subcore_parallel>], iteration_bounds = array<i64: 2, 16>, scalar_prefetch = 0 : i64, scratch_operands = 3 : i64, tpu.core_type = #tpu.core_type<sc_vector_subcore>, window_params = [{transform_indices = #map}, {transform_indices = #map}, {transform_indices = #map}]} {
    %mul3A = arith.constant 2 : i32
    %mul3A_0 = arith.muli %arg1, %mul3A : i32
    %add3A = arith.addi %mul3A_0, %arg0 : i32
    %mul3A_1 = arith.constant 32 : i32
    %mul3A_2 = arith.muli %add3A, %mul3A_1 : i32
    "tpu.region"() ({
      %run_scoped3A = tpu.sem_alloc : memref<!tpu.dma_semaphore, #tpu.memory_space<semaphore_mem>>
      tpu.enqueue_dma source(%arg2 : memref<1024xf32, #tpu.memory_space<hbm>>) target(%arg5 : memref<1024xf32, #tpu.memory_space<vmem>>) target_semaphore(%run_scoped3A : memref<!tpu.dma_semaphore, #tpu.memory_space<semaphore_mem>>)
      tpu.wait_dma2 semaphore(%run_scoped3A : memref<!tpu.dma_semaphore, #tpu.memory_space<semaphore_mem>>) src(%arg2 : memref<1024xf32, #tpu.memory_space<hbm>>) dst(%arg5 : memref<1024xf32, #tpu.memory_space<vmem>>)
      tpu.yield
    }) : () -> ()
    "tpu.region"() ({
      %run_scoped3A = tpu.sem_alloc : memref<!tpu.dma_semaphore, #tpu.memory_space<semaphore_mem>>
      %dma_start3A = tpu.memref_slice %arg3[%mul3A_2] : memref<1000xi32, #tpu.memory_space<hbm>> -> memref<32xi32, #tpu.memory_space<hbm>>
      %dma_start3A_884 = tpu.memref_slice %arg3[%mul3A_2] : memref<1000xi32, #tpu.memory_space<hbm>> -> memref<32xi32, #tpu.memory_space<hbm>>
      tpu.enqueue_dma source(%dma_start3A_884 : memref<32xi32, #tpu.memory_space<hbm>>) target(%arg6 : memref<32xi32, #tpu.memory_space<vmem>>) target_semaphore(%run_scoped3A : memref<!tpu.dma_semaphore, #tpu.memory_space<semaphore_mem>>)
      %dma_wait3A = tpu.memref_slice %arg3[%mul3A_2] : memref<1000xi32, #tpu.memory_space<hbm>> -> memref<32xi32, #tpu.memory_space<hbm>>
      %dma_wait3A_885 = tpu.memref_slice %arg3[%mul3A_2] : memref<1000xi32, #tpu.memory_space<hbm>> -> memref<32xi32, #tpu.memory_space<hbm>>
      tpu.wait_dma2 semaphore(%run_scoped3A : memref<!tpu.dma_semaphore, #tpu.memory_space<semaphore_mem>>) src(%dma_wait3A_885 : memref<32xi32, #tpu.memory_space<hbm>>) dst(%arg6 : memref<32xi32, #tpu.memory_space<vmem>>)
      tpu.yield
    }) : () -> ()
    %broadcast_in_dim3A = arith.constant 0.000000e+00 : f32
    %broadcast_in_dim3A_3 = vector.broadcast %broadcast_in_dim3A : f32 to vector<16xf32>
    %broadcast_in_dim3A_4 = arith.constant 0.000000e+00 : f32
    %broadcast_in_dim3A_5 = vector.broadcast %broadcast_in_dim3A_4 : f32 to vector<16xf32>
    %get3A = arith.constant 0 : index
    %get3A_6 = tpu.vector_load %arg5[%get3A] {strides = array<i32>} : memref<1024xf32, #tpu.memory_space<vmem>>, vector<16xf32>,
    %ne3A = arith.cmpf one, %get3A_6, %get3A_6 : vector<16xf32>
    %jit3A = arith.constant 0.000000e+00 : f32
    %broadcast_in_dim3A_7 = vector.broadcast %jit3A : f32 to vector<16xf32>
    %select_n3A = arith.select %ne3A, %broadcast_in_dim3A_7, %get3A_6 : vector<16xi1>, vector<16xf32>
    %add3A_8 = arith.addf %broadcast_in_dim3A_3, %select_n3A : vector<16xf32>
    %jit3A_9 = arith.constant 0.000000e+00 : f32
    %jit3A_10 = arith.constant 1.000000e+00 : f32
    %broadcast_in_dim3A_11 = vector.broadcast %jit3A_9 : f32 to vector<16xf32>
    %broadcast_in_dim3A_12 = vector.broadcast %jit3A_10 : f32 to vector<16xf32>
    %select_n3A_13 = arith.select %ne3A, %broadcast_in_dim3A_11, %broadcast_in_dim3A_12 : vector<16xi1>, vector<16xf32>
    %add3A_14 = arith.addf %broadcast_in_dim3A_5, %select_n3A_13 : vector<16xf32>
    %get3A_15 = arith.constant 16 : index
    %get3A_16 = tpu.vector_load %arg5[%get3A_15] {strides = array<i32>} : memref<1024xf32, #tpu.memory_space<vmem>>, vector<16xf32>,
    %ne3A_17 = arith.cmpf one, %get3A_16, %get3A_16 : vector<16xf32>
    %jit3A_18 = arith.constant 0.000000e+00 : f32
    %broadcast_in_dim3A_19 = vector.broadcast %jit3A_18 : f32 to vector<16xf32>
    %select_n3A_20 = arith.select %ne3A_17, %broadcast_in_dim3A_19, %get3A_16 : vector<16xi1>, vector<16xf32>
    %add3A_21 = arith.addf %add3A_8, %select_n3A_20 : vector<16xf32>
    %jit3A_22 = arith.constant 0.000000e+00 : f32
    %jit3A_23 = arith.constant 1.000000e+00 : f32
    %broadcast_in_dim3A_24 = vector.broadcast %jit3A_22 : f32 to vector<16xf32>
    %broadcast_in_dim3A_25 = vector.broadcast %jit3A_23 : f32 to vector<16xf32>
    %select_n3A_26 = arith.select %ne3A_17, %broadcast_in_dim3A_24, %broadcast_in_dim3A_25 : vector<16xi1>, vector<16xf32>
    %add3A_27 = arith.addf %add3A_14, %select_n3A_26 : vector<16xf32>
    %get3A_28 = arith.constant 32 : index
    %get3A_29 = tpu.vector_load %arg5[%get3A_28] {strides = array<i32>} : memref<1024xf32, #tpu.memory_space<vmem>>, vector<16xf32>,
    %ne3A_30 = arith.cmpf one, %get3A_29, %get3A_29 : vector<16xf32>
    %jit3A_31 = arith.constant 0.000000e+00 : f32
    %broadcast_in_dim3A_32 = vector.broadcast %jit3A_31 : f32 to vector<16xf32>
    %select_n3A_33 = arith.select %ne3A_30, %broadcast_in_dim3A_32, %get3A_29 : vector<16xi1>, vector<16xf32>
    %add3A_34 = arith.addf %add3A_21, %select_n3A_33 : vector<16xf32>
    %jit3A_35 = arith.constant 0.000000e+00 : f32
    %jit3A_36 = arith.constant 1.000000e+00 : f32
    %broadcast_in_dim3A_37 = vector.broadcast %jit3A_35 : f32 to vector<16xf32>
    %broadcast_in_dim3A_38 = vector.broadcast %jit3A_36 : f32 to vector<16xf32>
    %select_n3A_39 = arith.select %ne3A_30, %broadcast_in_dim3A_37, %broadcast_in_dim3A_38 : vector<16xi1>, vector<16xf32>
    %add3A_40 = arith.addf %add3A_27, %select_n3A_39 : vector<16xf32>
    %get3A_41 = arith.constant 48 : index
    %get3A_42 = tpu.vector_load %arg5[%get3A_41] {strides = array<i32>} : memref<1024xf32, #tpu.memory_space<vmem>>, vector<16xf32>,
    %ne3A_43 = arith.cmpf one, %get3A_42, %get3A_42 : vector<16xf32>
    %jit3A_44 = arith.constant 0.000000e+00 : f32
    %broadcast_in_dim3A_45 = vector.broadcast %jit3A_44 : f32 to vector<16xf32>
    %select_n3A_46 = arith.select %ne3A_43, %broadcast_in_dim3A_45, %get3A_42 : vector<16xi1>, vector<16xf32>
    %add3A_47 = arith.addf %add3A_34, %select_n3A_46 : vector<16xf32>
    %jit3A_48 = arith.constant 0.000000e+00 : f32
    %jit3A_49 = arith.constant 1.000000e+00 : f32
    %broadcast_in_dim3A_50 = vector.broadcast %jit3A_48 : f32 to vector<16xf32>
    %broadcast_in_dim3A_51 = vector.broadcast %jit3A_49 : f32 to vector<16xf32>
    %select_n3A_52 = arith.select %ne3A_43, %broadcast_in_dim3A_50, %broadcast_in_dim3A_51 : vector<16xi1>, vector<16xf32>
    %add3A_53 = arith.addf %add3A_40, %select_n3A_52 : vector<16xf32>
    %get3A_54 = arith.constant 64 : index
    %get3A_55 = tpu.vector_load %arg5[%get3A_54] {strides = array<i32>} : memref<1024xf32, #tpu.memory_space<vmem>>, vector<16xf32>,
    %ne3A_56 = arith.cmpf one, %get3A_55, %get3A_55 : vector<16xf32>
    %jit3A_57 = arith.constant 0.000000e+00 : f32
    %broadcast_in_dim3A_58 = vector.broadcast %jit3A_57 : f32 to vector<16xf32>
    %select_n3A_59 = arith.select %ne3A_56, %broadcast_in_dim3A_58, %get3A_55 : vector<16xi1>, vector<16xf32>
    %add3A_60 = arith.addf %add3A_47, %select_n3A_59 : vector<16xf32>
    %jit3A_61 = arith.constant 0.000000e+00 : f32
    %jit3A_62 = arith.constant 1.000000e+00 : f32
    %broadcast_in_dim3A_63 = vector.broadcast %jit3A_61 : f32 to vector<16xf32>
    %broadcast_in_dim3A_64 = vector.broadcast %jit3A_62 : f32 to vector<16xf32>
    %select_n3A_65 = arith.select %ne3A_56, %broadcast_in_dim3A_63, %broadcast_in_dim3A_64 : vector<16xi1>, vector<16xf32>
    %add3A_66 = arith.addf %add3A_53, %select_n3A_65 : vector<16xf32>
    %get3A_67 = arith.constant 80 : index
    %get3A_68 = tpu.vector_load %arg5[%get3A_67] {strides = array<i32>} : memref<1024xf32, #tpu.memory_space<vmem>>, vector<16xf32>,
    %ne3A_69 = arith.cmpf one, %get3A_68, %get3A_68 : vector<16xf32>
    %jit3A_70 = arith.constant 0.000000e+00 : f32
    %broadcast_in_dim3A_71 = vector.broadcast %jit3A_70 : f32 to vector<16xf32>
    %select_n3A_72 = arith.select %ne3A_69, %broadcast_in_dim3A_71, %get3A_68 : vector<16xi1>, vector<16xf32>
    %add3A_73 = arith.addf %add3A_60, %select_n3A_72 : vector<16xf32>
    %jit3A_74 = arith.constant 0.000000e+00 : f32
    %jit3A_75 = arith.constant 1.000000e+00 : f32
    %broadcast_in_dim3A_76 = vector.broadcast %jit3A_74 : f32 to vector<16xf32>
    %broadcast_in_dim3A_77 = vector.broadcast %jit3A_75 : f32 to vector<16xf32>
    %select_n3A_78 = arith.select %ne3A_69, %broadcast_in_dim3A_76, %broadcast_in_dim3A_77 : vector<16xi1>, vector<16xf32>
    %add3A_79 = arith.addf %add3A_66, %select_n3A_78 : vector<16xf32>
    %get3A_80 = arith.constant 96 : index
    %get3A_81 = tpu.vector_load %arg5[%get3A_80] {strides = array<i32>} : memref<1024xf32, #tpu.memory_space<vmem>>, vector<16xf32>,
    %ne3A_82 = arith.cmpf one, %get3A_81, %get3A_81 : vector<16xf32>
    %jit3A_83 = arith.constant 0.000000e+00 : f32
    %broadcast_in_dim3A_84 = vector.broadcast %jit3A_83 : f32 to vector<16xf32>
    %select_n3A_85 = arith.select %ne3A_82, %broadcast_in_dim3A_84, %get3A_81 : vector<16xi1>, vector<16xf32>
    %add3A_86 = arith.addf %add3A_73, %select_n3A_85 : vector<16xf32>
    %jit3A_87 = arith.constant 0.000000e+00 : f32
    %jit3A_88 = arith.constant 1.000000e+00 : f32
    %broadcast_in_dim3A_89 = vector.broadcast %jit3A_87 : f32 to vector<16xf32>
    %broadcast_in_dim3A_90 = vector.broadcast %jit3A_88 : f32 to vector<16xf32>
    %select_n3A_91 = arith.select %ne3A_82, %broadcast_in_dim3A_89, %broadcast_in_dim3A_90 : vector<16xi1>, vector<16xf32>
    %add3A_92 = arith.addf %add3A_79, %select_n3A_91 : vector<16xf32>
    %get3A_93 = arith.constant 112 : index
    %get3A_94 = tpu.vector_load %arg5[%get3A_93] {strides = array<i32>} : memref<1024xf32, #tpu.memory_space<vmem>>, vector<16xf32>,
    %ne3A_95 = arith.cmpf one, %get3A_94, %get3A_94 : vector<16xf32>
    %jit3A_96 = arith.constant 0.000000e+00 : f32
    %broadcast_in_dim3A_97 = vector.broadcast %jit3A_96 : f32 to vector<16xf32>
    %select_n3A_98 = arith.select %ne3A_95, %broadcast_in_dim3A_97, %get3A_94 : vector<16xi1>, vector<16xf32>
    %add3A_99 = arith.addf %add3A_86, %select_n3A_98 : vector<16xf32>
    %jit3A_100 = arith.constant 0.000000e+00 : f32
    %jit3A_101 = arith.constant 1.000000e+00 : f32
    %broadcast_in_dim3A_102 = vector.broadcast %jit3A_100 : f32 to vector<16xf32>
    %broadcast_in_dim3A_103 = vector.broadcast %jit3A_101 : f32 to vector<16xf32>
    %select_n3A_104 = arith.select %ne3A_95, %broadcast_in_dim3A_102, %broadcast_in_dim3A_103 : vector<16xi1>, vector<16xf32>
    %add3A_105 = arith.addf %add3A_92, %select_n3A_104 : vector<16xf32>
    %get3A_106 = arith.constant 128 : index
    %get3A_107 = tpu.vector_load %arg5[%get3A_106] {strides = array<i32>} : memref<1024xf32, #tpu.memory_space<vmem>>, vector<16xf32>,
    %ne3A_108 = arith.cmpf one, %get3A_107, %get3A_107 : vector<16xf32>
    %jit3A_109 = arith.constant 0.000000e+00 : f32
    %broadcast_in_dim3A_110 = vector.broadcast %jit3A_109 : f32 to vector<16xf32>
    %select_n3A_111 = arith.select %ne3A_108, %broadcast_in_dim3A_110, %get3A_107 : vector<16xi1>, vector<16xf32>
    %add3A_112 = arith.addf %add3A_99, %select_n3A_111 : vector<16xf32>
    %jit3A_113 = arith.constant 0.000000e+00 : f32
    %jit3A_114 = arith.constant 1.000000e+00 : f32
    %broadcast_in_dim3A_115 = vector.broadcast %jit3A_113 : f32 to vector<16xf32>
    %broadcast_in_dim3A_116 = vector.broadcast %jit3A_114 : f32 to vector<16xf32>
    %select_n3A_117 = arith.select %ne3A_108, %broadcast_in_dim3A_115, %broadcast_in_dim3A_116 : vector<16xi1>, vector<16xf32>
    %add3A_118 = arith.addf %add3A_105, %select_n3A_117 : vector<16xf32>
    %get3A_119 = arith.constant 144 : index
    %get3A_120 = tpu.vector_load %arg5[%get3A_119] {strides = array<i32>} : memref<1024xf32, #tpu.memory_space<vmem>>, vector<16xf32>,
    %ne3A_121 = arith.cmpf one, %get3A_120, %get3A_120 : vector<16xf32>
    %jit3A_122 = arith.constant 0.000000e+00 : f32
    %broadcast_in_dim3A_123 = vector.broadcast %jit3A_122 : f32 to vector<16xf32>
    %select_n3A_124 = arith.select %ne3A_121, %broadcast_in_dim3A_123, %get3A_120 : vector<16xi1>, vector<16xf32>
    %add3A_125 = arith.addf %add3A_112, %select_n3A_124 : vector<16xf32>
    %jit3A_126 = arith.constant 0.000000e+00 : f32
    %jit3A_127 = arith.constant 1.000000e+00 : f32
    %broadcast_in_dim3A_128 = vector.broadcast %jit3A_126 : f32 to vector<16xf32>
    %broadcast_in_dim3A_129 = vector.broadcast %jit3A_127 : f32 to vector<16xf32>
    %select_n3A_130 = arith.select %ne3A_121, %broadcast_in_dim3A_128, %broadcast_in_dim3A_129 : vector<16xi1>, vector<16xf32>
    %add3A_131 = arith.addf %add3A_118, %select_n3A_130 : vector<16xf32>
    %get3A_132 = arith.constant 160 : index
    %get3A_133 = tpu.vector_load %arg5[%get3A_132] {strides = array<i32>} : memref<1024xf32, #tpu.memory_space<vmem>>, vector<16xf32>,
    %ne3A_134 = arith.cmpf one, %get3A_133, %get3A_133 : vector<16xf32>
    %jit3A_135 = arith.constant 0.000000e+00 : f32
    %broadcast_in_dim3A_136 = vector.broadcast %jit3A_135 : f32 to vector<16xf32>
    %select_n3A_137 = arith.select %ne3A_134, %broadcast_in_dim3A_136, %get3A_133 : vector<16xi1>, vector<16xf32>
    %add3A_138 = arith.addf %add3A_125, %select_n3A_137 : vector<16xf32>
    %jit3A_139 = arith.constant 0.000000e+00 : f32
    %jit3A_140 = arith.constant 1.000000e+00 : f32
    %broadcast_in_dim3A_141 = vector.broadcast %jit3A_139 : f32 to vector<16xf32>
    %broadcast_in_dim3A_142 = vector.broadcast %jit3A_140 : f32 to vector<16xf32>
    %select_n3A_143 = arith.select %ne3A_134, %broadcast_in_dim3A_141, %broadcast_in_dim3A_142 : vector<16xi1>, vector<16xf32>
    %add3A_144 = arith.addf %add3A_131, %select_n3A_143 : vector<16xf32>
    %get3A_145 = arith.constant 176 : index
    %get3A_146 = tpu.vector_load %arg5[%get3A_145] {strides = array<i32>} : memref<1024xf32, #tpu.memory_space<vmem>>, vector<16xf32>,
    %ne3A_147 = arith.cmpf one, %get3A_146, %get3A_146 : vector<16xf32>
    %jit3A_148 = arith.constant 0.000000e+00 : f32
    %broadcast_in_dim3A_149 = vector.broadcast %jit3A_148 : f32 to vector<16xf32>
    %select_n3A_150 = arith.select %ne3A_147, %broadcast_in_dim3A_149, %get3A_146 : vector<16xi1>, vector<16xf32>
    %add3A_151 = arith.addf %add3A_138, %select_n3A_150 : vector<16xf32>
    %jit3A_152 = arith.constant 0.000000e+00 : f32
    %jit3A_153 = arith.constant 1.000000e+00 : f32
    %broadcast_in_dim3A_154 = vector.broadcast %jit3A_152 : f32 to vector<16xf32>
    %broadcast_in_dim3A_155 = vector.broadcast %jit3A_153 : f32 to vector<16xf32>
    %select_n3A_156 = arith.select %ne3A_147, %broadcast_in_dim3A_154, %broadcast_in_dim3A_155 : vector<16xi1>, vector<16xf32>
    %add3A_157 = arith.addf %add3A_144, %select_n3A_156 : vector<16xf32>
    %get3A_158 = arith.constant 192 : index
    %get3A_159 = tpu.vector_load %arg5[%get3A_158] {strides = array<i32>} : memref<1024xf32, #tpu.memory_space<vmem>>, vector<16xf32>,
    %ne3A_160 = arith.cmpf one, %get3A_159, %get3A_159 : vector<16xf32>
    %jit3A_161 = arith.constant 0.000000e+00 : f32
    %broadcast_in_dim3A_162 = vector.broadcast %jit3A_161 : f32 to vector<16xf32>
    %select_n3A_163 = arith.select %ne3A_160, %broadcast_in_dim3A_162, %get3A_159 : vector<16xi1>, vector<16xf32>
    %add3A_164 = arith.addf %add3A_151, %select_n3A_163 : vector<16xf32>
    %jit3A_165 = arith.constant 0.000000e+00 : f32
    %jit3A_166 = arith.constant 1.000000e+00 : f32
    %broadcast_in_dim3A_167 = vector.broadcast %jit3A_165 : f32 to vector<16xf32>
    %broadcast_in_dim3A_168 = vector.broadcast %jit3A_166 : f32 to vector<16xf32>
    %select_n3A_169 = arith.select %ne3A_160, %broadcast_in_dim3A_167, %broadcast_in_dim3A_168 : vector<16xi1>, vector<16xf32>
    %add3A_170 = arith.addf %add3A_157, %select_n3A_169 : vector<16xf32>
    %get3A_171 = arith.constant 208 : index
    %get3A_172 = tpu.vector_load %arg5[%get3A_171] {strides = array<i32>} : memref<1024xf32, #tpu.memory_space<vmem>>, vector<16xf32>,
    %ne3A_173 = arith.cmpf one, %get3A_172, %get3A_172 : vector<16xf32>
    %jit3A_174 = arith.constant 0.000000e+00 : f32
    %broadcast_in_dim3A_175 = vector.broadcast %jit3A_174 : f32 to vector<16xf32>
    %select_n3A_176 = arith.select %ne3A_173, %broadcast_in_dim3A_175, %get3A_172 : vector<16xi1>, vector<16xf32>
    %add3A_177 = arith.addf %add3A_164, %select_n3A_176 : vector<16xf32>
    %jit3A_178 = arith.constant 0.000000e+00 : f32
    %jit3A_179 = arith.constant 1.000000e+00 : f32
    %broadcast_in_dim3A_180 = vector.broadcast %jit3A_178 : f32 to vector<16xf32>
    %broadcast_in_dim3A_181 = vector.broadcast %jit3A_179 : f32 to vector<16xf32>
    %select_n3A_182 = arith.select %ne3A_173, %broadcast_in_dim3A_180, %broadcast_in_dim3A_181 : vector<16xi1>, vector<16xf32>
    %add3A_183 = arith.addf %add3A_170, %select_n3A_182 : vector<16xf32>
    %get3A_184 = arith.constant 224 : index
    %get3A_185 = tpu.vector_load %arg5[%get3A_184] {strides = array<i32>} : memref<1024xf32, #tpu.memory_space<vmem>>, vector<16xf32>,
    %ne3A_186 = arith.cmpf one, %get3A_185, %get3A_185 : vector<16xf32>
    %jit3A_187 = arith.constant 0.000000e+00 : f32
    %broadcast_in_dim3A_188 = vector.broadcast %jit3A_187 : f32 to vector<16xf32>
    %select_n3A_189 = arith.select %ne3A_186, %broadcast_in_dim3A_188, %get3A_185 : vector<16xi1>, vector<16xf32>
    %add3A_190 = arith.addf %add3A_177, %select_n3A_189 : vector<16xf32>
    %jit3A_191 = arith.constant 0.000000e+00 : f32
    %jit3A_192 = arith.constant 1.000000e+00 : f32
    %broadcast_in_dim3A_193 = vector.broadcast %jit3A_191 : f32 to vector<16xf32>
    %broadcast_in_dim3A_194 = vector.broadcast %jit3A_192 : f32 to vector<16xf32>
    %select_n3A_195 = arith.select %ne3A_186, %broadcast_in_dim3A_193, %broadcast_in_dim3A_194 : vector<16xi1>, vector<16xf32>
    %add3A_196 = arith.addf %add3A_183, %select_n3A_195 : vector<16xf32>
    %get3A_197 = arith.constant 240 : index
    %get3A_198 = tpu.vector_load %arg5[%get3A_197] {strides = array<i32>} : memref<1024xf32, #tpu.memory_space<vmem>>, vector<16xf32>,
    %ne3A_199 = arith.cmpf one, %get3A_198, %get3A_198 : vector<16xf32>
    %jit3A_200 = arith.constant 0.000000e+00 : f32
    %broadcast_in_dim3A_201 = vector.broadcast %jit3A_200 : f32 to vector<16xf32>
    %select_n3A_202 = arith.select %ne3A_199, %broadcast_in_dim3A_201, %get3A_198 : vector<16xi1>, vector<16xf32>
    %add3A_203 = arith.addf %add3A_190, %select_n3A_202 : vector<16xf32>
    %jit3A_204 = arith.constant 0.000000e+00 : f32
    %jit3A_205 = arith.constant 1.000000e+00 : f32
    %broadcast_in_dim3A_206 = vector.broadcast %jit3A_204 : f32 to vector<16xf32>
    %broadcast_in_dim3A_207 = vector.broadcast %jit3A_205 : f32 to vector<16xf32>
    %select_n3A_208 = arith.select %ne3A_199, %broadcast_in_dim3A_206, %broadcast_in_dim3A_207 : vector<16xi1>, vector<16xf32>
    %add3A_209 = arith.addf %add3A_196, %select_n3A_208 : vector<16xf32>
    %get3A_210 = arith.constant 256 : index
    %get3A_211 = tpu.vector_load %arg5[%get3A_210] {strides = array<i32>} : memref<1024xf32, #tpu.memory_space<vmem>>, vector<16xf32>,
    %ne3A_212 = arith.cmpf one, %get3A_211, %get3A_211 : vector<16xf32>
    %jit3A_213 = arith.constant 0.000000e+00 : f32
    %broadcast_in_dim3A_214 = vector.broadcast %jit3A_213 : f32 to vector<16xf32>
    %select_n3A_215 = arith.select %ne3A_212, %broadcast_in_dim3A_214, %get3A_211 : vector<16xi1>, vector<16xf32>
    %add3A_216 = arith.addf %add3A_203, %select_n3A_215 : vector<16xf32>
    %jit3A_217 = arith.constant 0.000000e+00 : f32
    %jit3A_218 = arith.constant 1.000000e+00 : f32
    %broadcast_in_dim3A_219 = vector.broadcast %jit3A_217 : f32 to vector<16xf32>
    %broadcast_in_dim3A_220 = vector.broadcast %jit3A_218 : f32 to vector<16xf32>
    %select_n3A_221 = arith.select %ne3A_212, %broadcast_in_dim3A_219, %broadcast_in_dim3A_220 : vector<16xi1>, vector<16xf32>
    %add3A_222 = arith.addf %add3A_209, %select_n3A_221 : vector<16xf32>
    %get3A_223 = arith.constant 272 : index
    %get3A_224 = tpu.vector_load %arg5[%get3A_223] {strides = array<i32>} : memref<1024xf32, #tpu.memory_space<vmem>>, vector<16xf32>,
    %ne3A_225 = arith.cmpf one, %get3A_224, %get3A_224 : vector<16xf32>
    %jit3A_226 = arith.constant 0.000000e+00 : f32
    %broadcast_in_dim3A_227 = vector.broadcast %jit3A_226 : f32 to vector<16xf32>
    %select_n3A_228 = arith.select %ne3A_225, %broadcast_in_dim3A_227, %get3A_224 : vector<16xi1>, vector<16xf32>
    %add3A_229 = arith.addf %add3A_216, %select_n3A_228 : vector<16xf32>
    %jit3A_230 = arith.constant 0.000000e+00 : f32
    %jit3A_231 = arith.constant 1.000000e+00 : f32
    %broadcast_in_dim3A_232 = vector.broadcast %jit3A_230 : f32 to vector<16xf32>
    %broadcast_in_dim3A_233 = vector.broadcast %jit3A_231 : f32 to vector<16xf32>
    %select_n3A_234 = arith.select %ne3A_225, %broadcast_in_dim3A_232, %broadcast_in_dim3A_233 : vector<16xi1>, vector<16xf32>
    %add3A_235 = arith.addf %add3A_222, %select_n3A_234 : vector<16xf32>
    %get3A_236 = arith.constant 288 : index
    %get3A_237 = tpu.vector_load %arg5[%get3A_236] {strides = array<i32>} : memref<1024xf32, #tpu.memory_space<vmem>>, vector<16xf32>,
    %ne3A_238 = arith.cmpf one, %get3A_237, %get3A_237 : vector<16xf32>
    %jit3A_239 = arith.constant 0.000000e+00 : f32
    %broadcast_in_dim3A_240 = vector.broadcast %jit3A_239 : f32 to vector<16xf32>
    %select_n3A_241 = arith.select %ne3A_238, %broadcast_in_dim3A_240, %get3A_237 : vector<16xi1>, vector<16xf32>
    %add3A_242 = arith.addf %add3A_229, %select_n3A_241 : vector<16xf32>
    %jit3A_243 = arith.constant 0.000000e+00 : f32
    %jit3A_244 = arith.constant 1.000000e+00 : f32
    %broadcast_in_dim3A_245 = vector.broadcast %jit3A_243 : f32 to vector<16xf32>
    %broadcast_in_dim3A_246 = vector.broadcast %jit3A_244 : f32 to vector<16xf32>
    %select_n3A_247 = arith.select %ne3A_238, %broadcast_in_dim3A_245, %broadcast_in_dim3A_246 : vector<16xi1>, vector<16xf32>
    %add3A_248 = arith.addf %add3A_235, %select_n3A_247 : vector<16xf32>
    %get3A_249 = arith.constant 304 : index
    %get3A_250 = tpu.vector_load %arg5[%get3A_249] {strides = array<i32>} : memref<1024xf32, #tpu.memory_space<vmem>>, vector<16xf32>,
    %ne3A_251 = arith.cmpf one, %get3A_250, %get3A_250 : vector<16xf32>
    %jit3A_252 = arith.constant 0.000000e+00 : f32
    %broadcast_in_dim3A_253 = vector.broadcast %jit3A_252 : f32 to vector<16xf32>
    %select_n3A_254 = arith.select %ne3A_251, %broadcast_in_dim3A_253, %get3A_250 : vector<16xi1>, vector<16xf32>
    %add3A_255 = arith.addf %add3A_242, %select_n3A_254 : vector<16xf32>
    %jit3A_256 = arith.constant 0.000000e+00 : f32
    %jit3A_257 = arith.constant 1.000000e+00 : f32
    %broadcast_in_dim3A_258 = vector.broadcast %jit3A_256 : f32 to vector<16xf32>
    %broadcast_in_dim3A_259 = vector.broadcast %jit3A_257 : f32 to vector<16xf32>
    %select_n3A_260 = arith.select %ne3A_251, %broadcast_in_dim3A_258, %broadcast_in_dim3A_259 : vector<16xi1>, vector<16xf32>
    %add3A_261 = arith.addf %add3A_248, %select_n3A_260 : vector<16xf32>
    %get3A_262 = arith.constant 320 : index
    %get3A_263 = tpu.vector_load %arg5[%get3A_262] {strides = array<i32>} : memref<1024xf32, #tpu.memory_space<vmem>>, vector<16xf32>,
    %ne3A_264 = arith.cmpf one, %get3A_263, %get3A_263 : vector<16xf32>
    %jit3A_265 = arith.constant 0.000000e+00 : f32
    %broadcast_in_dim3A_266 = vector.broadcast %jit3A_265 : f32 to vector<16xf32>
    %select_n3A_267 = arith.select %ne3A_264, %broadcast_in_dim3A_266, %get3A_263 : vector<16xi1>, vector<16xf32>
    %add3A_268 = arith.addf %add3A_255, %select_n3A_267 : vector<16xf32>
    %jit3A_269 = arith.constant 0.000000e+00 : f32
    %jit3A_270 = arith.constant 1.000000e+00 : f32
    %broadcast_in_dim3A_271 = vector.broadcast %jit3A_269 : f32 to vector<16xf32>
    %broadcast_in_dim3A_272 = vector.broadcast %jit3A_270 : f32 to vector<16xf32>
    %select_n3A_273 = arith.select %ne3A_264, %broadcast_in_dim3A_271, %broadcast_in_dim3A_272 : vector<16xi1>, vector<16xf32>
    %add3A_274 = arith.addf %add3A_261, %select_n3A_273 : vector<16xf32>
    %get3A_275 = arith.constant 336 : index
    %get3A_276 = tpu.vector_load %arg5[%get3A_275] {strides = array<i32>} : memref<1024xf32, #tpu.memory_space<vmem>>, vector<16xf32>,
    %ne3A_277 = arith.cmpf one, %get3A_276, %get3A_276 : vector<16xf32>
    %jit3A_278 = arith.constant 0.000000e+00 : f32
    %broadcast_in_dim3A_279 = vector.broadcast %jit3A_278 : f32 to vector<16xf32>
    %select_n3A_280 = arith.select %ne3A_277, %broadcast_in_dim3A_279, %get3A_276 : vector<16xi1>, vector<16xf32>
    %add3A_281 = arith.addf %add3A_268, %select_n3A_280 : vector<16xf32>
    %jit3A_282 = arith.constant 0.000000e+00 : f32
    %jit3A_283 = arith.constant 1.000000e+00 : f32
    %broadcast_in_dim3A_284 = vector.broadcast %jit3A_282 : f32 to vector<16xf32>
    %broadcast_in_dim3A_285 = vector.broadcast %jit3A_283 : f32 to vector<16xf32>
    %select_n3A_286 = arith.select %ne3A_277, %broadcast_in_dim3A_284, %broadcast_in_dim3A_285 : vector<16xi1>, vector<16xf32>
    %add3A_287 = arith.addf %add3A_274, %select_n3A_286 : vector<16xf32>
    %get3A_288 = arith.constant 352 : index
    %get3A_289 = tpu.vector_load %arg5[%get3A_288] {strides = array<i32>} : memref<1024xf32, #tpu.memory_space<vmem>>, vector<16xf32>,
    %ne3A_290 = arith.cmpf one, %get3A_289, %get3A_289 : vector<16xf32>
    %jit3A_291 = arith.constant 0.000000e+00 : f32
    %broadcast_in_dim3A_292 = vector.broadcast %jit3A_291 : f32 to vector<16xf32>
    %select_n3A_293 = arith.select %ne3A_290, %broadcast_in_dim3A_292, %get3A_289 : vector<16xi1>, vector<16xf32>
    %add3A_294 = arith.addf %add3A_281, %select_n3A_293 : vector<16xf32>
    %jit3A_295 = arith.constant 0.000000e+00 : f32
    %jit3A_296 = arith.constant 1.000000e+00 : f32
    %broadcast_in_dim3A_297 = vector.broadcast %jit3A_295 : f32 to vector<16xf32>
    %broadcast_in_dim3A_298 = vector.broadcast %jit3A_296 : f32 to vector<16xf32>
    %select_n3A_299 = arith.select %ne3A_290, %broadcast_in_dim3A_297, %broadcast_in_dim3A_298 : vector<16xi1>, vector<16xf32>
    %add3A_300 = arith.addf %add3A_287, %select_n3A_299 : vector<16xf32>
    %get3A_301 = arith.constant 368 : index
    %get3A_302 = tpu.vector_load %arg5[%get3A_301] {strides = array<i32>} : memref<1024xf32, #tpu.memory_space<vmem>>, vector<16xf32>,
    %ne3A_303 = arith.cmpf one, %get3A_302, %get3A_302 : vector<16xf32>
    %jit3A_304 = arith.constant 0.000000e+00 : f32
    %broadcast_in_dim3A_305 = vector.broadcast %jit3A_304 : f32 to vector<16xf32>
    %select_n3A_306 = arith.select %ne3A_303, %broadcast_in_dim3A_305, %get3A_302 : vector<16xi1>, vector<16xf32>
    %add3A_307 = arith.addf %add3A_294, %select_n3A_306 : vector<16xf32>
    %jit3A_308 = arith.constant 0.000000e+00 : f32
    %jit3A_309 = arith.constant 1.000000e+00 : f32
    %broadcast_in_dim3A_310 = vector.broadcast %jit3A_308 : f32 to vector<16xf32>
    %broadcast_in_dim3A_311 = vector.broadcast %jit3A_309 : f32 to vector<16xf32>
    %select_n3A_312 = arith.select %ne3A_303, %broadcast_in_dim3A_310, %broadcast_in_dim3A_311 : vector<16xi1>, vector<16xf32>
    %add3A_313 = arith.addf %add3A_300, %select_n3A_312 : vector<16xf32>
    %get3A_314 = arith.constant 384 : index
    %get3A_315 = tpu.vector_load %arg5[%get3A_314] {strides = array<i32>} : memref<1024xf32, #tpu.memory_space<vmem>>, vector<16xf32>,
    %ne3A_316 = arith.cmpf one, %get3A_315, %get3A_315 : vector<16xf32>
    %jit3A_317 = arith.constant 0.000000e+00 : f32
    %broadcast_in_dim3A_318 = vector.broadcast %jit3A_317 : f32 to vector<16xf32>
    %select_n3A_319 = arith.select %ne3A_316, %broadcast_in_dim3A_318, %get3A_315 : vector<16xi1>, vector<16xf32>
    %add3A_320 = arith.addf %add3A_307, %select_n3A_319 : vector<16xf32>
    %jit3A_321 = arith.constant 0.000000e+00 : f32
    %jit3A_322 = arith.constant 1.000000e+00 : f32
    %broadcast_in_dim3A_323 = vector.broadcast %jit3A_321 : f32 to vector<16xf32>
    %broadcast_in_dim3A_324 = vector.broadcast %jit3A_322 : f32 to vector<16xf32>
    %select_n3A_325 = arith.select %ne3A_316, %broadcast_in_dim3A_323, %broadcast_in_dim3A_324 : vector<16xi1>, vector<16xf32>
    %add3A_326 = arith.addf %add3A_313, %select_n3A_325 : vector<16xf32>
    %get3A_327 = arith.constant 400 : index
    %get3A_328 = tpu.vector_load %arg5[%get3A_327] {strides = array<i32>} : memref<1024xf32, #tpu.memory_space<vmem>>, vector<16xf32>,
    %ne3A_329 = arith.cmpf one, %get3A_328, %get3A_328 : vector<16xf32>
    %jit3A_330 = arith.constant 0.000000e+00 : f32
    %broadcast_in_dim3A_331 = vector.broadcast %jit3A_330 : f32 to vector<16xf32>
    %select_n3A_332 = arith.select %ne3A_329, %broadcast_in_dim3A_331, %get3A_328 : vector<16xi1>, vector<16xf32>
    %add3A_333 = arith.addf %add3A_320, %select_n3A_332 : vector<16xf32>
    %jit3A_334 = arith.constant 0.000000e+00 : f32
    %jit3A_335 = arith.constant 1.000000e+00 : f32
    %broadcast_in_dim3A_336 = vector.broadcast %jit3A_334 : f32 to vector<16xf32>
    %broadcast_in_dim3A_337 = vector.broadcast %jit3A_335 : f32 to vector<16xf32>
    %select_n3A_338 = arith.select %ne3A_329, %broadcast_in_dim3A_336, %broadcast_in_dim3A_337 : vector<16xi1>, vector<16xf32>
    %add3A_339 = arith.addf %add3A_326, %select_n3A_338 : vector<16xf32>
    %get3A_340 = arith.constant 416 : index
    %get3A_341 = tpu.vector_load %arg5[%get3A_340] {strides = array<i32>} : memref<1024xf32, #tpu.memory_space<vmem>>, vector<16xf32>,
    %ne3A_342 = arith.cmpf one, %get3A_341, %get3A_341 : vector<16xf32>
    %jit3A_343 = arith.constant 0.000000e+00 : f32
    %broadcast_in_dim3A_344 = vector.broadcast %jit3A_343 : f32 to vector<16xf32>
    %select_n3A_345 = arith.select %ne3A_342, %broadcast_in_dim3A_344, %get3A_341 : vector<16xi1>, vector<16xf32>
    %add3A_346 = arith.addf %add3A_333, %select_n3A_345 : vector<16xf32>
    %jit3A_347 = arith.constant 0.000000e+00 : f32
    %jit3A_348 = arith.constant 1.000000e+00 : f32
    %broadcast_in_dim3A_349 = vector.broadcast %jit3A_347 : f32 to vector<16xf32>
    %broadcast_in_dim3A_350 = vector.broadcast %jit3A_348 : f32 to vector<16xf32>
    %select_n3A_351 = arith.select %ne3A_342, %broadcast_in_dim3A_349, %broadcast_in_dim3A_350 : vector<16xi1>, vector<16xf32>
    %add3A_352 = arith.addf %add3A_339, %select_n3A_351 : vector<16xf32>
    %get3A_353 = arith.constant 432 : index
    %get3A_354 = tpu.vector_load %arg5[%get3A_353] {strides = array<i32>} : memref<1024xf32, #tpu.memory_space<vmem>>, vector<16xf32>,
    %ne3A_355 = arith.cmpf one, %get3A_354, %get3A_354 : vector<16xf32>
    %jit3A_356 = arith.constant 0.000000e+00 : f32
    %broadcast_in_dim3A_357 = vector.broadcast %jit3A_356 : f32 to vector<16xf32>
    %select_n3A_358 = arith.select %ne3A_355, %broadcast_in_dim3A_357, %get3A_354 : vector<16xi1>, vector<16xf32>
    %add3A_359 = arith.addf %add3A_346, %select_n3A_358 : vector<16xf32>
    %jit3A_360 = arith.constant 0.000000e+00 : f32
    %jit3A_361 = arith.constant 1.000000e+00 : f32
    %broadcast_in_dim3A_362 = vector.broadcast %jit3A_360 : f32 to vector<16xf32>
    %broadcast_in_dim3A_363 = vector.broadcast %jit3A_361 : f32 to vector<16xf32>
    %select_n3A_364 = arith.select %ne3A_355, %broadcast_in_dim3A_362, %broadcast_in_dim3A_363 : vector<16xi1>, vector<16xf32>
    %add3A_365 = arith.addf %add3A_352, %select_n3A_364 : vector<16xf32>
    %get3A_366 = arith.constant 448 : index
    %get3A_367 = tpu.vector_load %arg5[%get3A_366] {strides = array<i32>} : memref<1024xf32, #tpu.memory_space<vmem>>, vector<16xf32>,
    %ne3A_368 = arith.cmpf one, %get3A_367, %get3A_367 : vector<16xf32>
    %jit3A_369 = arith.constant 0.000000e+00 : f32
    %broadcast_in_dim3A_370 = vector.broadcast %jit3A_369 : f32 to vector<16xf32>
    %select_n3A_371 = arith.select %ne3A_368, %broadcast_in_dim3A_370, %get3A_367 : vector<16xi1>, vector<16xf32>
    %add3A_372 = arith.addf %add3A_359, %select_n3A_371 : vector<16xf32>
    %jit3A_373 = arith.constant 0.000000e+00 : f32
    %jit3A_374 = arith.constant 1.000000e+00 : f32
    %broadcast_in_dim3A_375 = vector.broadcast %jit3A_373 : f32 to vector<16xf32>
    %broadcast_in_dim3A_376 = vector.broadcast %jit3A_374 : f32 to vector<16xf32>
    %select_n3A_377 = arith.select %ne3A_368, %broadcast_in_dim3A_375, %broadcast_in_dim3A_376 : vector<16xi1>, vector<16xf32>
    %add3A_378 = arith.addf %add3A_365, %select_n3A_377 : vector<16xf32>
    %get3A_379 = arith.constant 464 : index
    %get3A_380 = tpu.vector_load %arg5[%get3A_379] {strides = array<i32>} : memref<1024xf32, #tpu.memory_space<vmem>>, vector<16xf32>,
    %ne3A_381 = arith.cmpf one, %get3A_380, %get3A_380 : vector<16xf32>
    %jit3A_382 = arith.constant 0.000000e+00 : f32
    %broadcast_in_dim3A_383 = vector.broadcast %jit3A_382 : f32 to vector<16xf32>
    %select_n3A_384 = arith.select %ne3A_381, %broadcast_in_dim3A_383, %get3A_380 : vector<16xi1>, vector<16xf32>
    %add3A_385 = arith.addf %add3A_372, %select_n3A_384 : vector<16xf32>
    %jit3A_386 = arith.constant 0.000000e+00 : f32
    %jit3A_387 = arith.constant 1.000000e+00 : f32
    %broadcast_in_dim3A_388 = vector.broadcast %jit3A_386 : f32 to vector<16xf32>
    %broadcast_in_dim3A_389 = vector.broadcast %jit3A_387 : f32 to vector<16xf32>
    %select_n3A_390 = arith.select %ne3A_381, %broadcast_in_dim3A_388, %broadcast_in_dim3A_389 : vector<16xi1>, vector<16xf32>
    %add3A_391 = arith.addf %add3A_378, %select_n3A_390 : vector<16xf32>
    %get3A_392 = arith.constant 480 : index
    %get3A_393 = tpu.vector_load %arg5[%get3A_392] {strides = array<i32>} : memref<1024xf32, #tpu.memory_space<vmem>>, vector<16xf32>,
    %ne3A_394 = arith.cmpf one, %get3A_393, %get3A_393 : vector<16xf32>
    %jit3A_395 = arith.constant 0.000000e+00 : f32
    %broadcast_in_dim3A_396 = vector.broadcast %jit3A_395 : f32 to vector<16xf32>
    %select_n3A_397 = arith.select %ne3A_394, %broadcast_in_dim3A_396, %get3A_393 : vector<16xi1>, vector<16xf32>
    %add3A_398 = arith.addf %add3A_385, %select_n3A_397 : vector<16xf32>
    %jit3A_399 = arith.constant 0.000000e+00 : f32
    %jit3A_400 = arith.constant 1.000000e+00 : f32
    %broadcast_in_dim3A_401 = vector.broadcast %jit3A_399 : f32 to vector<16xf32>
    %broadcast_in_dim3A_402 = vector.broadcast %jit3A_400 : f32 to vector<16xf32>
    %select_n3A_403 = arith.select %ne3A_394, %broadcast_in_dim3A_401, %broadcast_in_dim3A_402 : vector<16xi1>, vector<16xf32>
    %add3A_404 = arith.addf %add3A_391, %select_n3A_403 : vector<16xf32>
    %get3A_405 = arith.constant 496 : index
    %get3A_406 = tpu.vector_load %arg5[%get3A_405] {strides = array<i32>} : memref<1024xf32, #tpu.memory_space<vmem>>, vector<16xf32>,
    %ne3A_407 = arith.cmpf one, %get3A_406, %get3A_406 : vector<16xf32>
    %jit3A_408 = arith.constant 0.000000e+00 : f32
    %broadcast_in_dim3A_409 = vector.broadcast %jit3A_408 : f32 to vector<16xf32>
    %select_n3A_410 = arith.select %ne3A_407, %broadcast_in_dim3A_409, %get3A_406 : vector<16xi1>, vector<16xf32>
    %add3A_411 = arith.addf %add3A_398, %select_n3A_410 : vector<16xf32>
    %jit3A_412 = arith.constant 0.000000e+00 : f32
    %jit3A_413 = arith.constant 1.000000e+00 : f32
    %broadcast_in_dim3A_414 = vector.broadcast %jit3A_412 : f32 to vector<16xf32>
    %broadcast_in_dim3A_415 = vector.broadcast %jit3A_413 : f32 to vector<16xf32>
    %select_n3A_416 = arith.select %ne3A_407, %broadcast_in_dim3A_414, %broadcast_in_dim3A_415 : vector<16xi1>, vector<16xf32>
    %add3A_417 = arith.addf %add3A_404, %select_n3A_416 : vector<16xf32>
    %get3A_418 = arith.constant 512 : index
    %get3A_419 = tpu.vector_load %arg5[%get3A_418] {strides = array<i32>} : memref<1024xf32, #tpu.memory_space<vmem>>, vector<16xf32>,
    %ne3A_420 = arith.cmpf one, %get3A_419, %get3A_419 : vector<16xf32>
    %jit3A_421 = arith.constant 0.000000e+00 : f32
    %broadcast_in_dim3A_422 = vector.broadcast %jit3A_421 : f32 to vector<16xf32>
    %select_n3A_423 = arith.select %ne3A_420, %broadcast_in_dim3A_422, %get3A_419 : vector<16xi1>, vector<16xf32>
    %add3A_424 = arith.addf %add3A_411, %select_n3A_423 : vector<16xf32>
    %jit3A_425 = arith.constant 0.000000e+00 : f32
    %jit3A_426 = arith.constant 1.000000e+00 : f32
    %broadcast_in_dim3A_427 = vector.broadcast %jit3A_425 : f32 to vector<16xf32>
    %broadcast_in_dim3A_428 = vector.broadcast %jit3A_426 : f32 to vector<16xf32>
    %select_n3A_429 = arith.select %ne3A_420, %broadcast_in_dim3A_427, %broadcast_in_dim3A_428 : vector<16xi1>, vector<16xf32>
    %add3A_430 = arith.addf %add3A_417, %select_n3A_429 : vector<16xf32>
    %get3A_431 = arith.constant 528 : index
    %get3A_432 = tpu.vector_load %arg5[%get3A_431] {strides = array<i32>} : memref<1024xf32, #tpu.memory_space<vmem>>, vector<16xf32>,
    %ne3A_433 = arith.cmpf one, %get3A_432, %get3A_432 : vector<16xf32>
    %jit3A_434 = arith.constant 0.000000e+00 : f32
    %broadcast_in_dim3A_435 = vector.broadcast %jit3A_434 : f32 to vector<16xf32>
    %select_n3A_436 = arith.select %ne3A_433, %broadcast_in_dim3A_435, %get3A_432 : vector<16xi1>, vector<16xf32>
    %add3A_437 = arith.addf %add3A_424, %select_n3A_436 : vector<16xf32>
    %jit3A_438 = arith.constant 0.000000e+00 : f32
    %jit3A_439 = arith.constant 1.000000e+00 : f32
    %broadcast_in_dim3A_440 = vector.broadcast %jit3A_438 : f32 to vector<16xf32>
    %broadcast_in_dim3A_441 = vector.broadcast %jit3A_439 : f32 to vector<16xf32>
    %select_n3A_442 = arith.select %ne3A_433, %broadcast_in_dim3A_440, %broadcast_in_dim3A_441 : vector<16xi1>, vector<16xf32>
    %add3A_443 = arith.addf %add3A_430, %select_n3A_442 : vector<16xf32>
    %get3A_444 = arith.constant 544 : index
    %get3A_445 = tpu.vector_load %arg5[%get3A_444] {strides = array<i32>} : memref<1024xf32, #tpu.memory_space<vmem>>, vector<16xf32>,
    %ne3A_446 = arith.cmpf one, %get3A_445, %get3A_445 : vector<16xf32>
    %jit3A_447 = arith.constant 0.000000e+00 : f32
    %broadcast_in_dim3A_448 = vector.broadcast %jit3A_447 : f32 to vector<16xf32>
    %select_n3A_449 = arith.select %ne3A_446, %broadcast_in_dim3A_448, %get3A_445 : vector<16xi1>, vector<16xf32>
    %add3A_450 = arith.addf %add3A_437, %select_n3A_449 : vector<16xf32>
    %jit3A_451 = arith.constant 0.000000e+00 : f32
    %jit3A_452 = arith.constant 1.000000e+00 : f32
    %broadcast_in_dim3A_453 = vector.broadcast %jit3A_451 : f32 to vector<16xf32>
    %broadcast_in_dim3A_454 = vector.broadcast %jit3A_452 : f32 to vector<16xf32>
    %select_n3A_455 = arith.select %ne3A_446, %broadcast_in_dim3A_453, %broadcast_in_dim3A_454 : vector<16xi1>, vector<16xf32>
    %add3A_456 = arith.addf %add3A_443, %select_n3A_455 : vector<16xf32>
    %get3A_457 = arith.constant 560 : index
    %get3A_458 = tpu.vector_load %arg5[%get3A_457] {strides = array<i32>} : memref<1024xf32, #tpu.memory_space<vmem>>, vector<16xf32>,
    %ne3A_459 = arith.cmpf one, %get3A_458, %get3A_458 : vector<16xf32>
    %jit3A_460 = arith.constant 0.000000e+00 : f32
    %broadcast_in_dim3A_461 = vector.broadcast %jit3A_460 : f32 to vector<16xf32>
    %select_n3A_462 = arith.select %ne3A_459, %broadcast_in_dim3A_461, %get3A_458 : vector<16xi1>, vector<16xf32>
    %add3A_463 = arith.addf %add3A_450, %select_n3A_462 : vector<16xf32>
    %jit3A_464 = arith.constant 0.000000e+00 : f32
    %jit3A_465 = arith.constant 1.000000e+00 : f32
    %broadcast_in_dim3A_466 = vector.broadcast %jit3A_464 : f32 to vector<16xf32>
    %broadcast_in_dim3A_467 = vector.broadcast %jit3A_465 : f32 to vector<16xf32>
    %select_n3A_468 = arith.select %ne3A_459, %broadcast_in_dim3A_466, %broadcast_in_dim3A_467 : vector<16xi1>, vector<16xf32>
    %add3A_469 = arith.addf %add3A_456, %select_n3A_468 : vector<16xf32>
    %get3A_470 = arith.constant 576 : index
    %get3A_471 = tpu.vector_load %arg5[%get3A_470] {strides = array<i32>} : memref<1024xf32, #tpu.memory_space<vmem>>, vector<16xf32>,
    %ne3A_472 = arith.cmpf one, %get3A_471, %get3A_471 : vector<16xf32>
    %jit3A_473 = arith.constant 0.000000e+00 : f32
    %broadcast_in_dim3A_474 = vector.broadcast %jit3A_473 : f32 to vector<16xf32>
    %select_n3A_475 = arith.select %ne3A_472, %broadcast_in_dim3A_474, %get3A_471 : vector<16xi1>, vector<16xf32>
    %add3A_476 = arith.addf %add3A_463, %select_n3A_475 : vector<16xf32>
    %jit3A_477 = arith.constant 0.000000e+00 : f32
    %jit3A_478 = arith.constant 1.000000e+00 : f32
    %broadcast_in_dim3A_479 = vector.broadcast %jit3A_477 : f32 to vector<16xf32>
    %broadcast_in_dim3A_480 = vector.broadcast %jit3A_478 : f32 to vector<16xf32>
    %select_n3A_481 = arith.select %ne3A_472, %broadcast_in_dim3A_479, %broadcast_in_dim3A_480 : vector<16xi1>, vector<16xf32>
    %add3A_482 = arith.addf %add3A_469, %select_n3A_481 : vector<16xf32>
    %get3A_483 = arith.constant 592 : index
    %get3A_484 = tpu.vector_load %arg5[%get3A_483] {strides = array<i32>} : memref<1024xf32, #tpu.memory_space<vmem>>, vector<16xf32>,
    %ne3A_485 = arith.cmpf one, %get3A_484, %get3A_484 : vector<16xf32>
    %jit3A_486 = arith.constant 0.000000e+00 : f32
    %broadcast_in_dim3A_487 = vector.broadcast %jit3A_486 : f32 to vector<16xf32>
    %select_n3A_488 = arith.select %ne3A_485, %broadcast_in_dim3A_487, %get3A_484 : vector<16xi1>, vector<16xf32>
    %add3A_489 = arith.addf %add3A_476, %select_n3A_488 : vector<16xf32>
    %jit3A_490 = arith.constant 0.000000e+00 : f32
    %jit3A_491 = arith.constant 1.000000e+00 : f32
    %broadcast_in_dim3A_492 = vector.broadcast %jit3A_490 : f32 to vector<16xf32>
    %broadcast_in_dim3A_493 = vector.broadcast %jit3A_491 : f32 to vector<16xf32>
    %select_n3A_494 = arith.select %ne3A_485, %broadcast_in_dim3A_492, %broadcast_in_dim3A_493 : vector<16xi1>, vector<16xf32>
    %add3A_495 = arith.addf %add3A_482, %select_n3A_494 : vector<16xf32>
    %get3A_496 = arith.constant 608 : index
    %get3A_497 = tpu.vector_load %arg5[%get3A_496] {strides = array<i32>} : memref<1024xf32, #tpu.memory_space<vmem>>, vector<16xf32>,
    %ne3A_498 = arith.cmpf one, %get3A_497, %get3A_497 : vector<16xf32>
    %jit3A_499 = arith.constant 0.000000e+00 : f32
    %broadcast_in_dim3A_500 = vector.broadcast %jit3A_499 : f32 to vector<16xf32>
    %select_n3A_501 = arith.select %ne3A_498, %broadcast_in_dim3A_500, %get3A_497 : vector<16xi1>, vector<16xf32>
    %add3A_502 = arith.addf %add3A_489, %select_n3A_501 : vector<16xf32>
    %jit3A_503 = arith.constant 0.000000e+00 : f32
    %jit3A_504 = arith.constant 1.000000e+00 : f32
    %broadcast_in_dim3A_505 = vector.broadcast %jit3A_503 : f32 to vector<16xf32>
    %broadcast_in_dim3A_506 = vector.broadcast %jit3A_504 : f32 to vector<16xf32>
    %select_n3A_507 = arith.select %ne3A_498, %broadcast_in_dim3A_505, %broadcast_in_dim3A_506 : vector<16xi1>, vector<16xf32>
    %add3A_508 = arith.addf %add3A_495, %select_n3A_507 : vector<16xf32>
    %get3A_509 = arith.constant 624 : index
    %get3A_510 = tpu.vector_load %arg5[%get3A_509] {strides = array<i32>} : memref<1024xf32, #tpu.memory_space<vmem>>, vector<16xf32>,
    %ne3A_511 = arith.cmpf one, %get3A_510, %get3A_510 : vector<16xf32>
    %jit3A_512 = arith.constant 0.000000e+00 : f32
    %broadcast_in_dim3A_513 = vector.broadcast %jit3A_512 : f32 to vector<16xf32>
    %select_n3A_514 = arith.select %ne3A_511, %broadcast_in_dim3A_513, %get3A_510 : vector<16xi1>, vector<16xf32>
    %add3A_515 = arith.addf %add3A_502, %select_n3A_514 : vector<16xf32>
    %jit3A_516 = arith.constant 0.000000e+00 : f32
    %jit3A_517 = arith.constant 1.000000e+00 : f32
    %broadcast_in_dim3A_518 = vector.broadcast %jit3A_516 : f32 to vector<16xf32>
    %broadcast_in_dim3A_519 = vector.broadcast %jit3A_517 : f32 to vector<16xf32>
    %select_n3A_520 = arith.select %ne3A_511, %broadcast_in_dim3A_518, %broadcast_in_dim3A_519 : vector<16xi1>, vector<16xf32>
    %add3A_521 = arith.addf %add3A_508, %select_n3A_520 : vector<16xf32>
    %get3A_522 = arith.constant 640 : index
    %get3A_523 = tpu.vector_load %arg5[%get3A_522] {strides = array<i32>} : memref<1024xf32, #tpu.memory_space<vmem>>, vector<16xf32>,
    %ne3A_524 = arith.cmpf one, %get3A_523, %get3A_523 : vector<16xf32>
    %jit3A_525 = arith.constant 0.000000e+00 : f32
    %broadcast_in_dim3A_526 = vector.broadcast %jit3A_525 : f32 to vector<16xf32>
    %select_n3A_527 = arith.select %ne3A_524, %broadcast_in_dim3A_526, %get3A_523 : vector<16xi1>, vector<16xf32>
    %add3A_528 = arith.addf %add3A_515, %select_n3A_527 : vector<16xf32>
    %jit3A_529 = arith.constant 0.000000e+00 : f32
    %jit3A_530 = arith.constant 1.000000e+00 : f32
    %broadcast_in_dim3A_531 = vector.broadcast %jit3A_529 : f32 to vector<16xf32>
    %broadcast_in_dim3A_532 = vector.broadcast %jit3A_530 : f32 to vector<16xf32>
    %select_n3A_533 = arith.select %ne3A_524, %broadcast_in_dim3A_531, %broadcast_in_dim3A_532 : vector<16xi1>, vector<16xf32>
    %add3A_534 = arith.addf %add3A_521, %select_n3A_533 : vector<16xf32>
    %get3A_535 = arith.constant 656 : index
    %get3A_536 = tpu.vector_load %arg5[%get3A_535] {strides = array<i32>} : memref<1024xf32, #tpu.memory_space<vmem>>, vector<16xf32>,
    %ne3A_537 = arith.cmpf one, %get3A_536, %get3A_536 : vector<16xf32>
    %jit3A_538 = arith.constant 0.000000e+00 : f32
    %broadcast_in_dim3A_539 = vector.broadcast %jit3A_538 : f32 to vector<16xf32>
    %select_n3A_540 = arith.select %ne3A_537, %broadcast_in_dim3A_539, %get3A_536 : vector<16xi1>, vector<16xf32>
    %add3A_541 = arith.addf %add3A_528, %select_n3A_540 : vector<16xf32>
    %jit3A_542 = arith.constant 0.000000e+00 : f32
    %jit3A_543 = arith.constant 1.000000e+00 : f32
    %broadcast_in_dim3A_544 = vector.broadcast %jit3A_542 : f32 to vector<16xf32>
    %broadcast_in_dim3A_545 = vector.broadcast %jit3A_543 : f32 to vector<16xf32>
    %select_n3A_546 = arith.select %ne3A_537, %broadcast_in_dim3A_544, %broadcast_in_dim3A_545 : vector<16xi1>, vector<16xf32>
    %add3A_547 = arith.addf %add3A_534, %select_n3A_546 : vector<16xf32>
    %get3A_548 = arith.constant 672 : index
    %get3A_549 = tpu.vector_load %arg5[%get3A_548] {strides = array<i32>} : memref<1024xf32, #tpu.memory_space<vmem>>, vector<16xf32>,
    %ne3A_550 = arith.cmpf one, %get3A_549, %get3A_549 : vector<16xf32>
    %jit3A_551 = arith.constant 0.000000e+00 : f32
    %broadcast_in_dim3A_552 = vector.broadcast %jit3A_551 : f32 to vector<16xf32>
    %select_n3A_553 = arith.select %ne3A_550, %broadcast_in_dim3A_552, %get3A_549 : vector<16xi1>, vector<16xf32>
    %add3A_554 = arith.addf %add3A_541, %select_n3A_553 : vector<16xf32>
    %jit3A_555 = arith.constant 0.000000e+00 : f32
    %jit3A_556 = arith.constant 1.000000e+00 : f32
    %broadcast_in_dim3A_557 = vector.broadcast %jit3A_555 : f32 to vector<16xf32>
    %broadcast_in_dim3A_558 = vector.broadcast %jit3A_556 : f32 to vector<16xf32>
    %select_n3A_559 = arith.select %ne3A_550, %broadcast_in_dim3A_557, %broadcast_in_dim3A_558 : vector<16xi1>, vector<16xf32>
    %add3A_560 = arith.addf %add3A_547, %select_n3A_559 : vector<16xf32>
    %get3A_561 = arith.constant 688 : index
    %get3A_562 = tpu.vector_load %arg5[%get3A_561] {strides = array<i32>} : memref<1024xf32, #tpu.memory_space<vmem>>, vector<16xf32>,
    %ne3A_563 = arith.cmpf one, %get3A_562, %get3A_562 : vector<16xf32>
    %jit3A_564 = arith.constant 0.000000e+00 : f32
    %broadcast_in_dim3A_565 = vector.broadcast %jit3A_564 : f32 to vector<16xf32>
    %select_n3A_566 = arith.select %ne3A_563, %broadcast_in_dim3A_565, %get3A_562 : vector<16xi1>, vector<16xf32>
    %add3A_567 = arith.addf %add3A_554, %select_n3A_566 : vector<16xf32>
    %jit3A_568 = arith.constant 0.000000e+00 : f32
    %jit3A_569 = arith.constant 1.000000e+00 : f32
    %broadcast_in_dim3A_570 = vector.broadcast %jit3A_568 : f32 to vector<16xf32>
    %broadcast_in_dim3A_571 = vector.broadcast %jit3A_569 : f32 to vector<16xf32>
    %select_n3A_572 = arith.select %ne3A_563, %broadcast_in_dim3A_570, %broadcast_in_dim3A_571 : vector<16xi1>, vector<16xf32>
    %add3A_573 = arith.addf %add3A_560, %select_n3A_572 : vector<16xf32>
    %get3A_574 = arith.constant 704 : index
    %get3A_575 = tpu.vector_load %arg5[%get3A_574] {strides = array<i32>} : memref<1024xf32, #tpu.memory_space<vmem>>, vector<16xf32>,
    %ne3A_576 = arith.cmpf one, %get3A_575, %get3A_575 : vector<16xf32>
    %jit3A_577 = arith.constant 0.000000e+00 : f32
    %broadcast_in_dim3A_578 = vector.broadcast %jit3A_577 : f32 to vector<16xf32>
    %select_n3A_579 = arith.select %ne3A_576, %broadcast_in_dim3A_578, %get3A_575 : vector<16xi1>, vector<16xf32>
    %add3A_580 = arith.addf %add3A_567, %select_n3A_579 : vector<16xf32>
    %jit3A_581 = arith.constant 0.000000e+00 : f32
    %jit3A_582 = arith.constant 1.000000e+00 : f32
    %broadcast_in_dim3A_583 = vector.broadcast %jit3A_581 : f32 to vector<16xf32>
    %broadcast_in_dim3A_584 = vector.broadcast %jit3A_582 : f32 to vector<16xf32>
    %select_n3A_585 = arith.select %ne3A_576, %broadcast_in_dim3A_583, %broadcast_in_dim3A_584 : vector<16xi1>, vector<16xf32>
    %add3A_586 = arith.addf %add3A_573, %select_n3A_585 : vector<16xf32>
    %get3A_587 = arith.constant 720 : index
    %get3A_588 = tpu.vector_load %arg5[%get3A_587] {strides = array<i32>} : memref<1024xf32, #tpu.memory_space<vmem>>, vector<16xf32>,
    %ne3A_589 = arith.cmpf one, %get3A_588, %get3A_588 : vector<16xf32>
    %jit3A_590 = arith.constant 0.000000e+00 : f32
    %broadcast_in_dim3A_591 = vector.broadcast %jit3A_590 : f32 to vector<16xf32>
    %select_n3A_592 = arith.select %ne3A_589, %broadcast_in_dim3A_591, %get3A_588 : vector<16xi1>, vector<16xf32>
    %add3A_593 = arith.addf %add3A_580, %select_n3A_592 : vector<16xf32>
    %jit3A_594 = arith.constant 0.000000e+00 : f32
    %jit3A_595 = arith.constant 1.000000e+00 : f32
    %broadcast_in_dim3A_596 = vector.broadcast %jit3A_594 : f32 to vector<16xf32>
    %broadcast_in_dim3A_597 = vector.broadcast %jit3A_595 : f32 to vector<16xf32>
    %select_n3A_598 = arith.select %ne3A_589, %broadcast_in_dim3A_596, %broadcast_in_dim3A_597 : vector<16xi1>, vector<16xf32>
    %add3A_599 = arith.addf %add3A_586, %select_n3A_598 : vector<16xf32>
    %get3A_600 = arith.constant 736 : index
    %get3A_601 = tpu.vector_load %arg5[%get3A_600] {strides = array<i32>} : memref<1024xf32, #tpu.memory_space<vmem>>, vector<16xf32>,
    %ne3A_602 = arith.cmpf one, %get3A_601, %get3A_601 : vector<16xf32>
    %jit3A_603 = arith.constant 0.000000e+00 : f32
    %broadcast_in_dim3A_604 = vector.broadcast %jit3A_603 : f32 to vector<16xf32>
    %select_n3A_605 = arith.select %ne3A_602, %broadcast_in_dim3A_604, %get3A_601 : vector<16xi1>, vector<16xf32>
    %add3A_606 = arith.addf %add3A_593, %select_n3A_605 : vector<16xf32>
    %jit3A_607 = arith.constant 0.000000e+00 : f32
    %jit3A_608 = arith.constant 1.000000e+00 : f32
    %broadcast_in_dim3A_609 = vector.broadcast %jit3A_607 : f32 to vector<16xf32>
    %broadcast_in_dim3A_610 = vector.broadcast %jit3A_608 : f32 to vector<16xf32>
    %select_n3A_611 = arith.select %ne3A_602, %broadcast_in_dim3A_609, %broadcast_in_dim3A_610 : vector<16xi1>, vector<16xf32>
    %add3A_612 = arith.addf %add3A_599, %select_n3A_611 : vector<16xf32>
    %get3A_613 = arith.constant 752 : index
    %get3A_614 = tpu.vector_load %arg5[%get3A_613] {strides = array<i32>} : memref<1024xf32, #tpu.memory_space<vmem>>, vector<16xf32>,
    %ne3A_615 = arith.cmpf one, %get3A_614, %get3A_614 : vector<16xf32>
    %jit3A_616 = arith.constant 0.000000e+00 : f32
    %broadcast_in_dim3A_617 = vector.broadcast %jit3A_616 : f32 to vector<16xf32>
    %select_n3A_618 = arith.select %ne3A_615, %broadcast_in_dim3A_617, %get3A_614 : vector<16xi1>, vector<16xf32>
    %add3A_619 = arith.addf %add3A_606, %select_n3A_618 : vector<16xf32>
    %jit3A_620 = arith.constant 0.000000e+00 : f32
    %jit3A_621 = arith.constant 1.000000e+00 : f32
    %broadcast_in_dim3A_622 = vector.broadcast %jit3A_620 : f32 to vector<16xf32>
    %broadcast_in_dim3A_623 = vector.broadcast %jit3A_621 : f32 to vector<16xf32>
    %select_n3A_624 = arith.select %ne3A_615, %broadcast_in_dim3A_622, %broadcast_in_dim3A_623 : vector<16xi1>, vector<16xf32>
    %add3A_625 = arith.addf %add3A_612, %select_n3A_624 : vector<16xf32>
    %get3A_626 = arith.constant 768 : index
    %get3A_627 = tpu.vector_load %arg5[%get3A_626] {strides = array<i32>} : memref<1024xf32, #tpu.memory_space<vmem>>, vector<16xf32>,
    %ne3A_628 = arith.cmpf one, %get3A_627, %get3A_627 : vector<16xf32>
    %jit3A_629 = arith.constant 0.000000e+00 : f32
    %broadcast_in_dim3A_630 = vector.broadcast %jit3A_629 : f32 to vector<16xf32>
    %select_n3A_631 = arith.select %ne3A_628, %broadcast_in_dim3A_630, %get3A_627 : vector<16xi1>, vector<16xf32>
    %add3A_632 = arith.addf %add3A_619, %select_n3A_631 : vector<16xf32>
    %jit3A_633 = arith.constant 0.000000e+00 : f32
    %jit3A_634 = arith.constant 1.000000e+00 : f32
    %broadcast_in_dim3A_635 = vector.broadcast %jit3A_633 : f32 to vector<16xf32>
    %broadcast_in_dim3A_636 = vector.broadcast %jit3A_634 : f32 to vector<16xf32>
    %select_n3A_637 = arith.select %ne3A_628, %broadcast_in_dim3A_635, %broadcast_in_dim3A_636 : vector<16xi1>, vector<16xf32>
    %add3A_638 = arith.addf %add3A_625, %select_n3A_637 : vector<16xf32>
    %get3A_639 = arith.constant 784 : index
    %get3A_640 = tpu.vector_load %arg5[%get3A_639] {strides = array<i32>} : memref<1024xf32, #tpu.memory_space<vmem>>, vector<16xf32>,
    %ne3A_641 = arith.cmpf one, %get3A_640, %get3A_640 : vector<16xf32>
    %jit3A_642 = arith.constant 0.000000e+00 : f32
    %broadcast_in_dim3A_643 = vector.broadcast %jit3A_642 : f32 to vector<16xf32>
    %select_n3A_644 = arith.select %ne3A_641, %broadcast_in_dim3A_643, %get3A_640 : vector<16xi1>, vector<16xf32>
    %add3A_645 = arith.addf %add3A_632, %select_n3A_644 : vector<16xf32>
    %jit3A_646 = arith.constant 0.000000e+00 : f32
    %jit3A_647 = arith.constant 1.000000e+00 : f32
    %broadcast_in_dim3A_648 = vector.broadcast %jit3A_646 : f32 to vector<16xf32>
    %broadcast_in_dim3A_649 = vector.broadcast %jit3A_647 : f32 to vector<16xf32>
    %select_n3A_650 = arith.select %ne3A_641, %broadcast_in_dim3A_648, %broadcast_in_dim3A_649 : vector<16xi1>, vector<16xf32>
    %add3A_651 = arith.addf %add3A_638, %select_n3A_650 : vector<16xf32>
    %get3A_652 = arith.constant 800 : index
    %get3A_653 = tpu.vector_load %arg5[%get3A_652] {strides = array<i32>} : memref<1024xf32, #tpu.memory_space<vmem>>, vector<16xf32>,
    %ne3A_654 = arith.cmpf one, %get3A_653, %get3A_653 : vector<16xf32>
    %jit3A_655 = arith.constant 0.000000e+00 : f32
    %broadcast_in_dim3A_656 = vector.broadcast %jit3A_655 : f32 to vector<16xf32>
    %select_n3A_657 = arith.select %ne3A_654, %broadcast_in_dim3A_656, %get3A_653 : vector<16xi1>, vector<16xf32>
    %add3A_658 = arith.addf %add3A_645, %select_n3A_657 : vector<16xf32>
    %jit3A_659 = arith.constant 0.000000e+00 : f32
    %jit3A_660 = arith.constant 1.000000e+00 : f32
    %broadcast_in_dim3A_661 = vector.broadcast %jit3A_659 : f32 to vector<16xf32>
    %broadcast_in_dim3A_662 = vector.broadcast %jit3A_660 : f32 to vector<16xf32>
    %select_n3A_663 = arith.select %ne3A_654, %broadcast_in_dim3A_661, %broadcast_in_dim3A_662 : vector<16xi1>, vector<16xf32>
    %add3A_664 = arith.addf %add3A_651, %select_n3A_663 : vector<16xf32>
    %get3A_665 = arith.constant 816 : index
    %get3A_666 = tpu.vector_load %arg5[%get3A_665] {strides = array<i32>} : memref<1024xf32, #tpu.memory_space<vmem>>, vector<16xf32>,
    %ne3A_667 = arith.cmpf one, %get3A_666, %get3A_666 : vector<16xf32>
    %jit3A_668 = arith.constant 0.000000e+00 : f32
    %broadcast_in_dim3A_669 = vector.broadcast %jit3A_668 : f32 to vector<16xf32>
    %select_n3A_670 = arith.select %ne3A_667, %broadcast_in_dim3A_669, %get3A_666 : vector<16xi1>, vector<16xf32>
    %add3A_671 = arith.addf %add3A_658, %select_n3A_670 : vector<16xf32>
    %jit3A_672 = arith.constant 0.000000e+00 : f32
    %jit3A_673 = arith.constant 1.000000e+00 : f32
    %broadcast_in_dim3A_674 = vector.broadcast %jit3A_672 : f32 to vector<16xf32>
    %broadcast_in_dim3A_675 = vector.broadcast %jit3A_673 : f32 to vector<16xf32>
    %select_n3A_676 = arith.select %ne3A_667, %broadcast_in_dim3A_674, %broadcast_in_dim3A_675 : vector<16xi1>, vector<16xf32>
    %add3A_677 = arith.addf %add3A_664, %select_n3A_676 : vector<16xf32>
    %get3A_678 = arith.constant 832 : index
    %get3A_679 = tpu.vector_load %arg5[%get3A_678] {strides = array<i32>} : memref<1024xf32, #tpu.memory_space<vmem>>, vector<16xf32>,
    %ne3A_680 = arith.cmpf one, %get3A_679, %get3A_679 : vector<16xf32>
    %jit3A_681 = arith.constant 0.000000e+00 : f32
    %broadcast_in_dim3A_682 = vector.broadcast %jit3A_681 : f32 to vector<16xf32>
    %select_n3A_683 = arith.select %ne3A_680, %broadcast_in_dim3A_682, %get3A_679 : vector<16xi1>, vector<16xf32>
    %add3A_684 = arith.addf %add3A_671, %select_n3A_683 : vector<16xf32>
    %jit3A_685 = arith.constant 0.000000e+00 : f32
    %jit3A_686 = arith.constant 1.000000e+00 : f32
    %broadcast_in_dim3A_687 = vector.broadcast %jit3A_685 : f32 to vector<16xf32>
    %broadcast_in_dim3A_688 = vector.broadcast %jit3A_686 : f32 to vector<16xf32>
    %select_n3A_689 = arith.select %ne3A_680, %broadcast_in_dim3A_687, %broadcast_in_dim3A_688 : vector<16xi1>, vector<16xf32>
    %add3A_690 = arith.addf %add3A_677, %select_n3A_689 : vector<16xf32>
    %get3A_691 = arith.constant 848 : index
    %get3A_692 = tpu.vector_load %arg5[%get3A_691] {strides = array<i32>} : memref<1024xf32, #tpu.memory_space<vmem>>, vector<16xf32>,
    %ne3A_693 = arith.cmpf one, %get3A_692, %get3A_692 : vector<16xf32>
    %jit3A_694 = arith.constant 0.000000e+00 : f32
    %broadcast_in_dim3A_695 = vector.broadcast %jit3A_694 : f32 to vector<16xf32>
    %select_n3A_696 = arith.select %ne3A_693, %broadcast_in_dim3A_695, %get3A_692 : vector<16xi1>, vector<16xf32>
    %add3A_697 = arith.addf %add3A_684, %select_n3A_696 : vector<16xf32>
    %jit3A_698 = arith.constant 0.000000e+00 : f32
    %jit3A_699 = arith.constant 1.000000e+00 : f32
    %broadcast_in_dim3A_700 = vector.broadcast %jit3A_698 : f32 to vector<16xf32>
    %broadcast_in_dim3A_701 = vector.broadcast %jit3A_699 : f32 to vector<16xf32>
    %select_n3A_702 = arith.select %ne3A_693, %broadcast_in_dim3A_700, %broadcast_in_dim3A_701 : vector<16xi1>, vector<16xf32>
    %add3A_703 = arith.addf %add3A_690, %select_n3A_702 : vector<16xf32>
    %get3A_704 = arith.constant 864 : index
    %get3A_705 = tpu.vector_load %arg5[%get3A_704] {strides = array<i32>} : memref<1024xf32, #tpu.memory_space<vmem>>, vector<16xf32>,
    %ne3A_706 = arith.cmpf one, %get3A_705, %get3A_705 : vector<16xf32>
    %jit3A_707 = arith.constant 0.000000e+00 : f32
    %broadcast_in_dim3A_708 = vector.broadcast %jit3A_707 : f32 to vector<16xf32>
    %select_n3A_709 = arith.select %ne3A_706, %broadcast_in_dim3A_708, %get3A_705 : vector<16xi1>, vector<16xf32>
    %add3A_710 = arith.addf %add3A_697, %select_n3A_709 : vector<16xf32>
    %jit3A_711 = arith.constant 0.000000e+00 : f32
    %jit3A_712 = arith.constant 1.000000e+00 : f32
    %broadcast_in_dim3A_713 = vector.broadcast %jit3A_711 : f32 to vector<16xf32>
    %broadcast_in_dim3A_714 = vector.broadcast %jit3A_712 : f32 to vector<16xf32>
    %select_n3A_715 = arith.select %ne3A_706, %broadcast_in_dim3A_713, %broadcast_in_dim3A_714 : vector<16xi1>, vector<16xf32>
    %add3A_716 = arith.addf %add3A_703, %select_n3A_715 : vector<16xf32>
    %get3A_717 = arith.constant 880 : index
    %get3A_718 = tpu.vector_load %arg5[%get3A_717] {strides = array<i32>} : memref<1024xf32, #tpu.memory_space<vmem>>, vector<16xf32>,
    %ne3A_719 = arith.cmpf one, %get3A_718, %get3A_718 : vector<16xf32>
    %jit3A_720 = arith.constant 0.000000e+00 : f32
    %broadcast_in_dim3A_721 = vector.broadcast %jit3A_720 : f32 to vector<16xf32>
    %select_n3A_722 = arith.select %ne3A_719, %broadcast_in_dim3A_721, %get3A_718 : vector<16xi1>, vector<16xf32>
    %add3A_723 = arith.addf %add3A_710, %select_n3A_722 : vector<16xf32>
    %jit3A_724 = arith.constant 0.000000e+00 : f32
    %jit3A_725 = arith.constant 1.000000e+00 : f32
    %broadcast_in_dim3A_726 = vector.broadcast %jit3A_724 : f32 to vector<16xf32>
    %broadcast_in_dim3A_727 = vector.broadcast %jit3A_725 : f32 to vector<16xf32>
    %select_n3A_728 = arith.select %ne3A_719, %broadcast_in_dim3A_726, %broadcast_in_dim3A_727 : vector<16xi1>, vector<16xf32>
    %add3A_729 = arith.addf %add3A_716, %select_n3A_728 : vector<16xf32>
    %get3A_730 = arith.constant 896 : index
    %get3A_731 = tpu.vector_load %arg5[%get3A_730] {strides = array<i32>} : memref<1024xf32, #tpu.memory_space<vmem>>, vector<16xf32>,
    %ne3A_732 = arith.cmpf one, %get3A_731, %get3A_731 : vector<16xf32>
    %jit3A_733 = arith.constant 0.000000e+00 : f32
    %broadcast_in_dim3A_734 = vector.broadcast %jit3A_733 : f32 to vector<16xf32>
    %select_n3A_735 = arith.select %ne3A_732, %broadcast_in_dim3A_734, %get3A_731 : vector<16xi1>, vector<16xf32>
    %add3A_736 = arith.addf %add3A_723, %select_n3A_735 : vector<16xf32>
    %jit3A_737 = arith.constant 0.000000e+00 : f32
    %jit3A_738 = arith.constant 1.000000e+00 : f32
    %broadcast_in_dim3A_739 = vector.broadcast %jit3A_737 : f32 to vector<16xf32>
    %broadcast_in_dim3A_740 = vector.broadcast %jit3A_738 : f32 to vector<16xf32>
    %select_n3A_741 = arith.select %ne3A_732, %broadcast_in_dim3A_739, %broadcast_in_dim3A_740 : vector<16xi1>, vector<16xf32>
    %add3A_742 = arith.addf %add3A_729, %select_n3A_741 : vector<16xf32>
    %get3A_743 = arith.constant 912 : index
    %get3A_744 = tpu.vector_load %arg5[%get3A_743] {strides = array<i32>} : memref<1024xf32, #tpu.memory_space<vmem>>, vector<16xf32>,
    %ne3A_745 = arith.cmpf one, %get3A_744, %get3A_744 : vector<16xf32>
    %jit3A_746 = arith.constant 0.000000e+00 : f32
    %broadcast_in_dim3A_747 = vector.broadcast %jit3A_746 : f32 to vector<16xf32>
    %select_n3A_748 = arith.select %ne3A_745, %broadcast_in_dim3A_747, %get3A_744 : vector<16xi1>, vector<16xf32>
    %add3A_749 = arith.addf %add3A_736, %select_n3A_748 : vector<16xf32>
    %jit3A_750 = arith.constant 0.000000e+00 : f32
    %jit3A_751 = arith.constant 1.000000e+00 : f32
    %broadcast_in_dim3A_752 = vector.broadcast %jit3A_750 : f32 to vector<16xf32>
    %broadcast_in_dim3A_753 = vector.broadcast %jit3A_751 : f32 to vector<16xf32>
    %select_n3A_754 = arith.select %ne3A_745, %broadcast_in_dim3A_752, %broadcast_in_dim3A_753 : vector<16xi1>, vector<16xf32>
    %add3A_755 = arith.addf %add3A_742, %select_n3A_754 : vector<16xf32>
    %get3A_756 = arith.constant 928 : index
    %get3A_757 = tpu.vector_load %arg5[%get3A_756] {strides = array<i32>} : memref<1024xf32, #tpu.memory_space<vmem>>, vector<16xf32>,
    %ne3A_758 = arith.cmpf one, %get3A_757, %get3A_757 : vector<16xf32>
    %jit3A_759 = arith.constant 0.000000e+00 : f32
    %broadcast_in_dim3A_760 = vector.broadcast %jit3A_759 : f32 to vector<16xf32>
    %select_n3A_761 = arith.select %ne3A_758, %broadcast_in_dim3A_760, %get3A_757 : vector<16xi1>, vector<16xf32>
    %add3A_762 = arith.addf %add3A_749, %select_n3A_761 : vector<16xf32>
    %jit3A_763 = arith.constant 0.000000e+00 : f32
    %jit3A_764 = arith.constant 1.000000e+00 : f32
    %broadcast_in_dim3A_765 = vector.broadcast %jit3A_763 : f32 to vector<16xf32>
    %broadcast_in_dim3A_766 = vector.broadcast %jit3A_764 : f32 to vector<16xf32>
    %select_n3A_767 = arith.select %ne3A_758, %broadcast_in_dim3A_765, %broadcast_in_dim3A_766 : vector<16xi1>, vector<16xf32>
    %add3A_768 = arith.addf %add3A_755, %select_n3A_767 : vector<16xf32>
    %get3A_769 = arith.constant 944 : index
    %get3A_770 = tpu.vector_load %arg5[%get3A_769] {strides = array<i32>} : memref<1024xf32, #tpu.memory_space<vmem>>, vector<16xf32>,
    %ne3A_771 = arith.cmpf one, %get3A_770, %get3A_770 : vector<16xf32>
    %jit3A_772 = arith.constant 0.000000e+00 : f32
    %broadcast_in_dim3A_773 = vector.broadcast %jit3A_772 : f32 to vector<16xf32>
    %select_n3A_774 = arith.select %ne3A_771, %broadcast_in_dim3A_773, %get3A_770 : vector<16xi1>, vector<16xf32>
    %add3A_775 = arith.addf %add3A_762, %select_n3A_774 : vector<16xf32>
    %jit3A_776 = arith.constant 0.000000e+00 : f32
    %jit3A_777 = arith.constant 1.000000e+00 : f32
    %broadcast_in_dim3A_778 = vector.broadcast %jit3A_776 : f32 to vector<16xf32>
    %broadcast_in_dim3A_779 = vector.broadcast %jit3A_777 : f32 to vector<16xf32>
    %select_n3A_780 = arith.select %ne3A_771, %broadcast_in_dim3A_778, %broadcast_in_dim3A_779 : vector<16xi1>, vector<16xf32>
    %add3A_781 = arith.addf %add3A_768, %select_n3A_780 : vector<16xf32>
    %get3A_782 = arith.constant 960 : index
    %get3A_783 = tpu.vector_load %arg5[%get3A_782] {strides = array<i32>} : memref<1024xf32, #tpu.memory_space<vmem>>, vector<16xf32>,
    %ne3A_784 = arith.cmpf one, %get3A_783, %get3A_783 : vector<16xf32>
    %jit3A_785 = arith.constant 0.000000e+00 : f32
    %broadcast_in_dim3A_786 = vector.broadcast %jit3A_785 : f32 to vector<16xf32>
    %select_n3A_787 = arith.select %ne3A_784, %broadcast_in_dim3A_786, %get3A_783 : vector<16xi1>, vector<16xf32>
    %add3A_788 = arith.addf %add3A_775, %select_n3A_787 : vector<16xf32>
    %jit3A_789 = arith.constant 0.000000e+00 : f32
    %jit3A_790 = arith.constant 1.000000e+00 : f32
    %broadcast_in_dim3A_791 = vector.broadcast %jit3A_789 : f32 to vector<16xf32>
    %broadcast_in_dim3A_792 = vector.broadcast %jit3A_790 : f32 to vector<16xf32>
    %select_n3A_793 = arith.select %ne3A_784, %broadcast_in_dim3A_791, %broadcast_in_dim3A_792 : vector<16xi1>, vector<16xf32>
    %add3A_794 = arith.addf %add3A_781, %select_n3A_793 : vector<16xf32>
    %get3A_795 = arith.constant 976 : index
    %get3A_796 = tpu.vector_load %arg5[%get3A_795] {strides = array<i32>} : memref<1024xf32, #tpu.memory_space<vmem>>, vector<16xf32>,
    %ne3A_797 = arith.cmpf one, %get3A_796, %get3A_796 : vector<16xf32>
    %jit3A_798 = arith.constant 0.000000e+00 : f32
    %broadcast_in_dim3A_799 = vector.broadcast %jit3A_798 : f32 to vector<16xf32>
    %select_n3A_800 = arith.select %ne3A_797, %broadcast_in_dim3A_799, %get3A_796 : vector<16xi1>, vector<16xf32>
    %add3A_801 = arith.addf %add3A_788, %select_n3A_800 : vector<16xf32>
    %jit3A_802 = arith.constant 0.000000e+00 : f32
    %jit3A_803 = arith.constant 1.000000e+00 : f32
    %broadcast_in_dim3A_804 = vector.broadcast %jit3A_802 : f32 to vector<16xf32>
    %broadcast_in_dim3A_805 = vector.broadcast %jit3A_803 : f32 to vector<16xf32>
    %select_n3A_806 = arith.select %ne3A_797, %broadcast_in_dim3A_804, %broadcast_in_dim3A_805 : vector<16xi1>, vector<16xf32>
    %add3A_807 = arith.addf %add3A_794, %select_n3A_806 : vector<16xf32>
    %get3A_808 = arith.constant 992 : index
    %get3A_809 = tpu.vector_load %arg5[%get3A_808] {strides = array<i32>} : memref<1024xf32, #tpu.memory_space<vmem>>, vector<16xf32>,
    %ne3A_810 = arith.cmpf one, %get3A_809, %get3A_809 : vector<16xf32>
    %jit3A_811 = arith.constant 0.000000e+00 : f32
    %broadcast_in_dim3A_812 = vector.broadcast %jit3A_811 : f32 to vector<16xf32>
    %select_n3A_813 = arith.select %ne3A_810, %broadcast_in_dim3A_812, %get3A_809 : vector<16xi1>, vector<16xf32>
    %add3A_814 = arith.addf %add3A_801, %select_n3A_813 : vector<16xf32>
    %jit3A_815 = arith.constant 0.000000e+00 : f32
    %jit3A_816 = arith.constant 1.000000e+00 : f32
    %broadcast_in_dim3A_817 = vector.broadcast %jit3A_815 : f32 to vector<16xf32>
    %broadcast_in_dim3A_818 = vector.broadcast %jit3A_816 : f32 to vector<16xf32>
    %select_n3A_819 = arith.select %ne3A_810, %broadcast_in_dim3A_817, %broadcast_in_dim3A_818 : vector<16xi1>, vector<16xf32>
    %add3A_820 = arith.addf %add3A_807, %select_n3A_819 : vector<16xf32>
    %get3A_821 = arith.constant 1008 : index
    %get3A_822 = tpu.vector_load %arg5[%get3A_821] {strides = array<i32>} : memref<1024xf32, #tpu.memory_space<vmem>>, vector<16xf32>,
    %ne3A_823 = arith.cmpf one, %get3A_822, %get3A_822 : vector<16xf32>
    %jit3A_824 = arith.constant 0.000000e+00 : f32
    %broadcast_in_dim3A_825 = vector.broadcast %jit3A_824 : f32 to vector<16xf32>
    %select_n3A_826 = arith.select %ne3A_823, %broadcast_in_dim3A_825, %get3A_822 : vector<16xi1>, vector<16xf32>
    %add3A_827 = arith.addf %add3A_814, %select_n3A_826 : vector<16xf32>
    %jit3A_828 = arith.constant 0.000000e+00 : f32
    %jit3A_829 = arith.constant 1.000000e+00 : f32
    %broadcast_in_dim3A_830 = vector.broadcast %jit3A_828 : f32 to vector<16xf32>
    %broadcast_in_dim3A_831 = vector.broadcast %jit3A_829 : f32 to vector<16xf32>
    %select_n3A_832 = arith.select %ne3A_823, %broadcast_in_dim3A_830, %broadcast_in_dim3A_831 : vector<16xi1>, vector<16xf32>
    %add3A_833 = arith.addf %add3A_820, %select_n3A_832 : vector<16xf32>
    %reduce_sum3A = arith.constant true
    %reduce_sum3A_834 = vector.broadcast %reduce_sum3A : i1 to vector<16xi1>
    %reduce_sum3A_835 = tpu.scan <sum>, %add3A_827 masked %reduce_sum3A_834 : vector<16xf32>, vector<16xi1> -> vector<16xf32>
    %reduce_sum3A_836 = vector.extract %reduce_sum3A_835[15] : f32 from vector<16xf32>
    %reduce_sum3A_837 = arith.constant true
    %reduce_sum3A_838 = vector.broadcast %reduce_sum3A_837 : i1 to vector<16xi1>
    %reduce_sum3A_839 = tpu.scan <sum>, %add3A_833 masked %reduce_sum3A_838 : vector<16xf32>, vector<16xi1> -> vector<16xf32>
    %reduce_sum3A_840 = vector.extract %reduce_sum3A_839[15] : f32 from vector<16xf32>
    %broadcast_in_dim3A_841 = vector.broadcast %reduce_sum3A_836 : f32 to vector<16xf32>
    %broadcast_in_dim3A_842 = vector.broadcast %reduce_sum3A_840 : f32 to vector<16xf32>
    %div3A = arith.divf %broadcast_in_dim3A_841, %broadcast_in_dim3A_842 : vector<16xf32>
    %get3A_843 = arith.constant 0 : index
    %get3A_844 = tpu.vector_load %arg6[%get3A_843] {strides = array<i32>} : memref<32xi32, #tpu.memory_space<vmem>>, vector<16xi32>,
    %gather3A = tpu.vector_load_idx %arg5[%get3A_844] : memref<1024xf32, #tpu.memory_space<vmem>>[vector<16xi32>], vector<16xf32>,
    %div3A_845 = arith.divf %div3A, %gather3A : vector<16xf32>
    %ne3A_846 = arith.cmpf one, %div3A_845, %div3A_845 : vector<16xf32>
    %jit3A_847 = arith.constant 1.000000e+00 : f32
    %broadcast_in_dim3A_848 = vector.broadcast %jit3A_847 : f32 to vector<16xf32>
    %select_n3A_849 = arith.select %ne3A_846, %broadcast_in_dim3A_848, %div3A_845 : vector<16xi1>, vector<16xf32>
    %eq3A = arith.constant 0x7F800000 : f32
    %eq3A_850 = vector.broadcast %eq3A : f32 to vector<16xf32>
    %eq3A_851 = arith.cmpf oeq, %select_n3A_849, %eq3A_850 : vector<16xf32>
    %jit3A_852 = arith.constant 3.40282347E+38 : f32
    %broadcast_in_dim3A_853 = vector.broadcast %jit3A_852 : f32 to vector<16xf32>
    %select_n3A_854 = arith.select %eq3A_851, %broadcast_in_dim3A_853, %select_n3A_849 : vector<16xi1>, vector<16xf32>
    %eq3A_855 = arith.constant 0xFF800000 : f32
    %eq3A_856 = vector.broadcast %eq3A_855 : f32 to vector<16xf32>
    %eq3A_857 = arith.cmpf oeq, %select_n3A_854, %eq3A_856 : vector<16xf32>
    %jit3A_858 = arith.constant -3.40282347E+38 : f32
    %broadcast_in_dim3A_859 = vector.broadcast %jit3A_858 : f32 to vector<16xf32>
    %select_n3A_860 = arith.select %eq3A_857, %broadcast_in_dim3A_859, %select_n3A_854 : vector<16xi1>, vector<16xf32>
    %swap3A = arith.constant 0 : index
    %swap3A_861 = tpu.vector_load %arg7[%swap3A] {strides = array<i32>} : memref<32xf32, #tpu.memory_space<vmem>>, vector<16xf32>,
    tpu.vector_store %arg7[%swap3A], %select_n3A_860 {strides = array<i32>} : memref<32xf32, #tpu.memory_space<vmem>>, vector<16xf32>,
    %get3A_862 = arith.constant 16 : index
    %get3A_863 = tpu.vector_load %arg6[%get3A_862] {strides = array<i32>} : memref<32xi32, #tpu.memory_space<vmem>>, vector<16xi32>,
    %gather3A_864 = tpu.vector_load_idx %arg5[%get3A_863] : memref<1024xf32, #tpu.memory_space<vmem>>[vector<16xi32>], vector<16xf32>,
    %div3A_865 = arith.divf %div3A, %gather3A_864 : vector<16xf32>
    %ne3A_866 = arith.cmpf one, %div3A_865, %div3A_865 : vector<16xf32>
    %jit3A_867 = arith.constant 1.000000e+00 : f32
    %broadcast_in_dim3A_868 = vector.broadcast %jit3A_867 : f32 to vector<16xf32>
    %select_n3A_869 = arith.select %ne3A_866, %broadcast_in_dim3A_868, %div3A_865 : vector<16xi1>, vector<16xf32>
    %eq3A_870 = arith.constant 0x7F800000 : f32
    %eq3A_871 = vector.broadcast %eq3A_870 : f32 to vector<16xf32>
    %eq3A_872 = arith.cmpf oeq, %select_n3A_869, %eq3A_871 : vector<16xf32>
    %jit3A_873 = arith.constant 3.40282347E+38 : f32
    %broadcast_in_dim3A_874 = vector.broadcast %jit3A_873 : f32 to vector<16xf32>
    %select_n3A_875 = arith.select %eq3A_872, %broadcast_in_dim3A_874, %select_n3A_869 : vector<16xi1>, vector<16xf32>
    %eq3A_876 = arith.constant 0xFF800000 : f32
    %eq3A_877 = vector.broadcast %eq3A_876 : f32 to vector<16xf32>
    %eq3A_878 = arith.cmpf oeq, %select_n3A_875, %eq3A_877 : vector<16xf32>
    %jit3A_879 = arith.constant -3.40282347E+38 : f32
    %broadcast_in_dim3A_880 = vector.broadcast %jit3A_879 : f32 to vector<16xf32>
    %select_n3A_881 = arith.select %eq3A_878, %broadcast_in_dim3A_880, %select_n3A_875 : vector<16xi1>, vector<16xf32>
    %swap3A_882 = arith.constant 16 : index
    %swap3A_883 = tpu.vector_load %arg7[%swap3A_882] {strides = array<i32>} : memref<32xf32, #tpu.memory_space<vmem>>, vector<16xf32>,
    tpu.vector_store %arg7[%swap3A_882], %select_n3A_881 {strides = array<i32>} : memref<32xf32, #tpu.memory_space<vmem>>, vector<16xf32>,
    "tpu.region"() ({
      %run_scoped3A = tpu.sem_alloc : memref<!tpu.dma_semaphore, #tpu.memory_space<semaphore_mem>>
      %dma_start3A = tpu.memref_slice %arg4[%mul3A_2] : memref<1024xf32, #tpu.memory_space<hbm>> -> memref<32xf32, #tpu.memory_space<hbm>>
      %dma_start3A_884 = tpu.memref_slice %arg4[%mul3A_2] : memref<1024xf32, #tpu.memory_space<hbm>> -> memref<32xf32, #tpu.memory_space<hbm>>
      tpu.enqueue_dma source(%arg7 : memref<32xf32, #tpu.memory_space<vmem>>) target(%dma_start3A_884 : memref<32xf32, #tpu.memory_space<hbm>>) target_semaphore(%run_scoped3A : memref<!tpu.dma_semaphore, #tpu.memory_space<semaphore_mem>>)
      %dma_wait3A = tpu.memref_slice %arg4[%mul3A_2] : memref<1024xf32, #tpu.memory_space<hbm>> -> memref<32xf32, #tpu.memory_space<hbm>>
      %dma_wait3A_885 = tpu.memref_slice %arg4[%mul3A_2] : memref<1024xf32, #tpu.memory_space<hbm>> -> memref<32xf32, #tpu.memory_space<hbm>>
      tpu.wait_dma2 semaphore(%run_scoped3A : memref<!tpu.dma_semaphore, #tpu.memory_space<semaphore_mem>>) src(%arg7 : memref<32xf32, #tpu.memory_space<vmem>>) dst(%dma_wait3A_885 : memref<32xf32, #tpu.memory_space<hbm>>)
      tpu.yield
    }) : () -> ()
    return
  }
}

</mosaic_0001>

<sc_bundles>
// kernel: _sc_gather.3.cloned.1.call-start
scs
__scs_entry_jumppad:
0x0: {  	(pc) =	sbr.rel $0x88, $3  }
0x1: {  	(tag) =	ssettag $0x0;
	lr =	simm.s32 $0x1  }
0x2: {  	[smem:$0x3F9F] =	sst lr;
	_ =	strace $0xD0000000  }
0x3: {  	_ = 	snop  }
0x4: {  	_ = 	snop  }
0x5: {  	_ = 	snop  }
0x6: {  	_ = 	snop  }
0x7: {  	_ = 	snop  }
__scs_overlays_trampoline_lowered:
0x8: {  	[smem:$0x3FAE] =	sst s0  }
0x9: {  	[smem:$0x3FAF] =	sst s1  }
0xa: {  	[smem:$0x3FB0] =	sst s2  }
0xb: {  	[smem:$0x3FB1] =	sst s3  }
0xc: {  	[smem:$0x3FB2] =	sst s4  }
0xd: {  	[smem:$0x3FB3] =	sst s5  }
0xe: {  	[smem:$0x3FB4] =	sst s6  }
0xf: {  	[smem:$0x3FB5] =	sst s7  }
0x10: {  	[smem:$0x3FB6] =	sst s8  }
0x11: {  	[smem:$0x3FB7] =	sst s9;
	s0 =	simm.s32 @!p0 $0x0  }
0x12: {  	s1 =	sld [smem:$0x3F9D];
	s0 =	simm.s32 @p0 $0x1  }
0x13: {  	[smem:$0x3FB8] =	sst s0;
	s0 =	simm.s32 @!p1 $0x0  }
0x14: {  	s2 =	sld [smem:$0x3F9C];
	s0 =	simm.s32 @p1 $0x1  }
0x15: {  	[smem:$0x3FB9] =	sst s0;
	s0 =	simm.s32 @!p2 $0x0  }
0x16: {  	s3 =	sld [smem:$0x3FDB];
	s0 =	simm.s32 @p2 $0x1  }
0x17: {  	s4 =	simm.s32 $0x1BF5;
	[smem:$0x3FBB] =	sst s0  }
0x18: {  	s0 =	sld [smem:$0x3F9E];
	_ =	swait.ge [sflag:s4], $0x0  }
0x19: {  	s7 =	sld [smem:$0x3F9F]  }
0x1a: {  	s8 =	sadd.s32 $0xFFFFE003, lr  }
0x1b: {  	s9 =	sadd.s32 $0xFFFFFEF7, lr;
	s5 =	simm.s32 $0xFFFFFFFF;
	p2 =	slt.u32 s8, $0xFFFFF086  }
0x1c: {  	p1 =	slt.u32 s9, $0xF7A;
	s5 =	simm.s32 @!p2 $0x0  }
0x1d: {  	s5 =	simm.s32 @p1 $0x1;
	p0 =	seq.s32 s7, s2  }
0x1e: {  	s7 =	smul.u32 @!p0 $0xF7A, s2;
	p2 =	seq.s32 @!p0 s5, $0x0  }
0x1f: {  	s9 =	smul.u32 $0xF7A, s1;
	s8 =	simm.s32 @!p0 $0x1BF5;
	p2 =	por !p2, p0  }
0x20: {  	[sflag:s8] =	ssyncset.s32 @!p0 $0xFFFFF086;
	s6 =	sadd.s32 @!p0 s3, s7;
	s7 =	simm.s32 @!p0 $0x108  }
0x21: {  	s3 =	sadd.s32 s3, s9;
	s6 =	sadd.s32 @!p0 $0x88, s6;
	s7 =	simm.s32 @p2 $0x1082  }
0x22: {  	[simem:s7], [sflag:s8] =	dma.local @!p0 [hbm:s6], $0xF7A  }
0x23: {  	s9 =	sor.u32 $0xD0000000, s2;
	s6 =	simm.s32 $0x108;
	_ =	swait.ge @!p0 [sflag:s8], $0x0  }
0x24: {  	s3 =	sadd.s32 $0x88, s3;
	s6 =	simm.s32 @!p1 $0x1082;
	[sflag:s4] =	ssyncset.s32 $0xFFFFF086  }
0x25: {  	[simem:s6], [sflag:s4] =	dma.local [hbm:s3], $0xF7A  }
0x26: {  	[smem:$0x3F9F] =	sst s1;
	(tag) =	ssettag s2;
	_ =	strace s9  }
0x27: {  	s1 =	sld [smem:$0x3FAF]  }
0x28: {  	s2 =	sld [smem:$0x3FB0]  }
0x29: {  	s4 =	sld [smem:$0x3FB2]  }
0x2a: {  	p0 =	seq.s32 s5, $0x0;
	s5 =	sld [smem:$0x3FB3]  }
0x2b: {  	s6 =	sld [smem:$0x3FB4]  }
0x2c: {  	s7 =	sld [smem:$0x3FB5]  }
0x2d: {  	s3 =	simm.s32 $0x108;
	s8 =	sld [smem:$0x3FB6]  }
0x2e: {  	s3 =	simm.s32 @!p0 $0x1082;
	s9 =	sld [smem:$0x3FB7]  }
0x2f: {  	lr =	sadd.s32 s0, s3;
	s0 =	sld [smem:$0x3FAE]  }
0x30: {  	s3 =	sld [smem:$0x3FB1]  }
0x31: {  	[smem:$0x3FBA] =	sst s10  }
0x32: {  	s10 =	sld [smem:$0x3FB8];
	_ =	sdelay $0x3  }
0x33: {  	p0 =	seq.s32 s10, $0x1;
	s10 =	sld [smem:$0x3FBA];
	_ =	sdelay $0x3  }
0x34: {  	[smem:$0x3FBA] =	sst s10  }
0x35: {  	s10 =	sld [smem:$0x3FB9];
	_ =	sdelay $0x3  }
0x36: {  	p1 =	seq.s32 s10, $0x1;
	s10 =	sld [smem:$0x3FBA];
	_ =	sdelay $0x3  }
0x37: {  	[smem:$0x3FBA] =	sst s10  }
0x38: {  	s10 =	sld [smem:$0x3FBB]  }
0x39: {  	_ = 	snop;
	(pc) =	sbr.ind lr, $3  }
0x3a: {  	_ = 	snop  }
0x3b: {  	_ = 	snop  }
0x3c: {  	p2 =	seq.s32 s10, $0x1;
	s10 =	sld [smem:$0x3FBA]  }
0x3d: {  	_ =	shalt  }
0x3e: {  	_ =	shalt  }
0x3f: {  	_ =	shalt  }
0x40: {  	_ =	shalt  }
0x41: {  	_ =	shalt  }
0x42: {  	_ =	shalt  }
0x43: {  	_ =	shalt  }
0x44: {  	_ =	shalt  }
0x45: {  	_ =	shalt  }
0x46: {  	_ =	shalt  }
0x47: {  	_ =	shalt  }
0x48: {  	_ =	shalt  }
0x49: {  	_ =	shalt  }
0x4a: {  	_ =	shalt  }
0x4b: {  	_ =	shalt  }
0x4c: {  	_ =	shalt  }
0x4d: {  	_ =	shalt  }
0x4e: {  	_ =	shalt  }
0x4f: {  	_ =	shalt  }
0x50: {  	_ =	shalt  }
0x51: {  	_ =	shalt  }
0x52: {  	_ =	shalt  }
0x53: {  	_ =	shalt  }
0x54: {  	_ =	shalt  }
0x55: {  	_ =	shalt  }
0x56: {  	_ =	shalt  }
0x57: {  	_ =	shalt  }
0x58: {  	_ =	shalt  }
0x59: {  	_ =	shalt  }
0x5a: {  	_ =	shalt  }
0x5b: {  	_ =	shalt  }
0x5c: {  	_ =	shalt  }
0x5d: {  	_ =	shalt  }
0x5e: {  	_ =	shalt  }
0x5f: {  	_ =	shalt  }
0x60: {  	_ =	shalt  }
0x61: {  	_ =	shalt  }
0x62: {  	_ =	shalt  }
0x63: {  	_ =	shalt  }
0x64: {  	_ =	shalt  }
0x65: {  	_ =	shalt  }
0x66: {  	_ =	shalt  }
0x67: {  	_ =	shalt  }
0x68: {  	_ =	shalt  }
0x69: {  	_ =	shalt  }
0x6a: {  	_ =	shalt  }
0x6b: {  	_ =	shalt  }
0x6c: {  	_ =	shalt  }
0x6d: {  	_ =	shalt  }
0x6e: {  	_ =	shalt  }
0x6f: {  	_ =	shalt  }
0x70: {  	_ =	shalt  }
0x71: {  	_ =	shalt  }
0x72: {  	_ =	shalt  }
0x73: {  	_ =	shalt  }
0x74: {  	_ =	shalt  }
0x75: {  	_ =	shalt  }
0x76: {  	_ =	shalt  }
0x77: {  	_ =	shalt  }
0x78: {  	_ =	shalt  }
0x79: {  	_ =	shalt  }
0x7a: {  	_ =	shalt  }
0x7b: {  	_ =	shalt  }
0x7c: {  	_ =	shalt  }
0x7d: {  	_ =	shalt  }
0x7e: {  	_ =	shalt  }
0x7f: {  	_ =	shalt  }
0x80: {  	_ =	shalt  }
0x81: {  	_ =	shalt  }
0x82: {  	_ =	shalt  }
0x83: {  	_ =	shalt  }
0x84: {  	_ =	shalt  }
0x85: {  	_ =	shalt  }
0x86: {  	_ =	shalt  }
0x87: {  	_ =	shalt  }
.Lfunc_end0:
.L_simem_size_0:
called_computation_lowered:
.L_overlay_start_0:
0x88: {  	s2 =	sld [smem:$0x3FD9]  }
0x89: {  	s3 =	sld [smem:$0x3FFE];
	_ =	sdelay $0x1  }
0x8a: {  	s1 =	srdreg.scid  }
0x8b: {  	s0 =	sand.u32 $0x1, s1  }
0x8c: {  	s18 =	sshll.u32 s0, $0xA;
	s2 =	sadd.s32 s3, s2  }
0x8d: {  	s2 =	sadd.s32 s2, s18  }
0x8e: {  	[smem:$0x3FC6] =	sst s2  }
0x8f: {  	_ = 	snop  }
0x90: {  	s2 =	sld [smem:$0x3FC9]  }
0x91: {  	s19 =	sld [smem:$0x3FC8]  }
0x92: {  	s4 =	sld [smem:$0x3FD0];
	(tm) =	ssettm $0x1  }
0x93: {  	s5 =	sld [smem:$0x3FFB];
	_ =	sdelay $0x3  }
0x94: {  	_ =	strace s5  }
0x95: {  	s5 =	sld [smem:$0x3FFC];
	_ =	sdelay $0x3  }
0x96: {  	_ =	strace s5  }
0x97: {  	s5 =	sld [smem:$0x3FFD];
	_ =	sdelay $0x3  }
0x98: {  	_ =	strace s5  }
0x99: {  	_ =	strace $0x8FFFFFFF  }
0x9a: {  	s20 =	sld [smem:$0x3FDB];
	_ =	sdelay $0x1  }
0x9b: {  	s6 =	simm.s32 $_scs_section_size  }
0x9c: {  	s7 =	simm.s32 $_size__tile_overlayer_lowered;
	s8 =	simm.s32 $_tile_overlayer_lowered  }
0x9d: {  	s23 =	simm.s32 $0x1BFF;
	s22 =	sshll.u32 s8, $0x1;
	s5 =	sadd.s32 s6, s20  }
0x9e: {  	s9 =	simm.s32 $0x0;
	s21 =	sshll.u32 s7, $0x1;
	s7 =	sadd.s32 s22, s5  }
0x9f: {  	[timem:s9], [sflag:s23] =	dma.local [hbm:s7], s21  }
0xa0: {  	_ =	swait.ge [sflag:s23], s21  }
0xa1: {  	s6 =	ssub.s32 $0x0, s21;
	[sflag:s23] =	ssyncset.done $0x0  }
0xa2: {  	[sflag:s23] =	ssyncadd.s32 s6;
	_ =	sdelay $0x1  }
0xa3: {  	s24 =	simm.s32 $0x1B8B  }
0xa4: {  	_ =	swait.ge [sflag:s24], $0x1  }
0xa5: {  	[sflag:s24] =	ssyncset.done $0x0  }
0xa6: {  	s25 =	simm.s32 $0x1B8E;
	[sflag:s24] =	ssyncadd.s32 $0xFFFFFFFF  }
0xa7: {  	s26 =	simm.s32 $execute0_lowered;
	[smem:$0x3FD2] =	sst s25  }
0xa8: {  	s6 =	sshll.u32 s26, $0x1;
	_ =	strace $0x80000046;
	[dreg:$0x1] =	wrdreg $0xFFFFFFFF  }
0xa9: {  	s28 =	simm.s32 $_size_execute0_lowered;
	s5 =	sadd.s32 s5, s6;
	[dreg:$0x0] =	wrdreg $0x0  }
0xaa: {  	s6 =	sshll.u32 s28, $0x1;
	[dreg:$0x2] =	wrdreg s5  }
0xab: {  	[dreg:$0x3] =	wrdreg s6  }
0xac: {  	[dreg:$0x4] =	wrdreg $0xC0  }
0xad: {  	_ =	task [dreg:s9], $0x5FFFF  }
0xae: {  	[dreg:$0x1] =	wrdreg $0xFFFFFFFF  }
0xaf: {  	[dreg:$0x0] =	wrdreg $0x60  }
0xb0: {  	[dreg:$0x2] =	wrdreg s2  }
0xb1: {  	[dreg:$0x3] =	wrdreg s19  }
0xb2: {  	[dreg:$0x4] =	wrdreg s4  }
0xb3: {  	[dreg:$0x5] =	wrdreg $0x9  }
0xb4: {  	_ =	task.clear_ibuf [dreg:s9], $0x6FFFF;
	_ =	strace $0x90000046  }
0xb5: {  	s29 =	simm.s32 $0x9;
	_ =	strace $0x80000048  }
0xb6: {  	_ =	swait.ge [sflag:s29], $0x1  }
0xb7: {  	[sflag:s29] =	ssyncadd.s32 $0xFFFFFFFF  }
0xb8: {  	_ =	strace $0x90000048  }
0xb9: {  	_ =	sfence  }
0xba: {  	s30 =	sld [smem:$0x0];
	_ =	sdelay $0x2  }
0xbb: {  	s31 =	sshll.u32 s1, $0xD;
	s1 =	sshrl.u32 s1, $0x2  }
0xbc: {  	s3 =	sand.u32 $0x4000, s31;
	s1 =	sadd.s32 s1, s30  }
0xbd: {  	s0 =	sor.u32 s3, s0;
	s1 =	sshll.u32 s1, $0x11  }
0xbe: {  	s0 =	sor.u32 s1, s0  }
0xbf: {  	s0 =	sadd.s32 $0x8F2B, s0  }
0xc0: {  	[sflag:s0] =	ssyncadd.remote.s32 $0x1  }
0xc1: {  	_ =	sfence.sel $0xFFFF  }
0xc2: {  	[dreg:$0x0] =	wrdreg $0xFFFFFFFF;
	(pc) =	sbr.abs _section_cstart, $3  }
0xc3: {  	[dreg:$0x1] =	wrdreg $0xFFFFFFFF  }
0xc4: {  	_ =	task.clear_ibuf [dreg:s9], $0x2FFFF;
	_ =	strace $0x9FFFFFFF  }
0xc5: {  	(tm) =	ssettm $0x7FFFFFFF  }
tec
execute0_lowered:
.L_overlay_start_1:
0x0: {  	(tag) =	ssettag $0x1  }
0x1: {  	s1 =	rddreg [dreg:$0x0]  }
0x2: {  	s5 =	rddreg [dreg:$0x1]  }
0x3: {  	s7 =	rddreg [dreg:$0x2];
	s2 =	simm.s32 $0x0  }
0x4: {  	[smem:$0x7FF] =	sst s2  }
0x5: {  	s0 =	rddreg [dreg:$0x3];
	v0 =	vimm.f32 $6.400000000e+01;
	_ =	strace $0x80000047  }
0x6: {  	(xrf2) =	vadd.scan.msk.f32 $0xffff, v0;
	_ =	sdelay $0x9  }
0x7: {  	v0, _, _ =	vpop (xrf2)  }
0x8: {  	v0 =	vbroadcast v0, $0xF;
	_ =	sdelay $0x1  }
0x9: {  	(erf) = vrcp.f32 v0;
	_ =	sdelay $0x6  }
0xa: {  	s4 =	srdreg.scid  }
0xb: {  	s3 =	stileid.u32;
	s8 =	sand.u32 $0x1, s4;
	s4 =	simm.s32 $0x1  }
0xc: {  	[tilespmem:s2], [sflag:$0x1] =	stream.linear.gather [hbm4b:s1+s2], $0x400, $0x38;
	v0 =	vpop (erf);
	[tilespmem:$0x500] =	vst v63  }
0xd: {  	s6 =	sshll.u32 s3, $0x3;
	s9 =	sshll.u32 s8, $0x2;
	_ =	swait.ge [sflag:s4], $0x400  }
0xe: {  	s9 =	sor.u32 s9, s6;
	[sflag:s4] =	ssyncset.done $0x0  }
0xf: {  	s6 =	simm.s32 $0x400;
	s5 =	sadd.s32 s5, s9;
	[sflag:s4] =	ssyncadd.s32 $0xFFFFFC00  }
0x10: {  	[tilespmem:s6], [sflag:$0x1] =	stream.linear.gather [hbm4b:s5+s2], $0x20, $0x38;
	[tilespmem:$0x500] =	vst v63  }
0x11: {  	_ =	swait.ge [sflag:s4], $0x20  }
0x12: {  	[sflag:s4] =	ssyncset.done $0x0  }
0x13: {  	[sflag:s4] =	ssyncadd.s32 $0xFFFFFFE0  }
0x14: {  	v1 =	vld [tilespmem:$0x0];
	_ =	sdelay $0x1  }
0x15: {  	v2 =	vld [tilespmem:$0x10];
	_ =	sdelay $0x1  }
0x16: {  	v3 =	vld [tilespmem:$0x20]  }
0x17: {  	v1 =	vadd.f32 $0.0e+00, v1  }
0x18: {  	v4 =	vld [tilespmem:$0x30]  }
0x19: {  	v1 =	vadd.f32 v2, v1  }
0x1a: {  	v2 =	vld [tilespmem:$0x40]  }
0x1b: {  	v1 =	vadd.f32 v3, v1  }
0x1c: {  	v3 =	vld [tilespmem:$0x50]  }
0x1d: {  	v1 =	vadd.f32 v4, v1  }
0x1e: {  	v44 =	vld [tilespmem:$0x60]  }
0x1f: {  	v1 =	vadd.f32 v2, v1  }
0x20: {  	v2 =	vld [tilespmem:$0x70]  }
0x21: {  	v1 =	vadd.f32 v3, v1  }
0x22: {  	v3 =	vld [tilespmem:$0x80]  }
0x23: {  	v1 =	vadd.f32 v44, v1  }
0x24: {  	v45 =	vld [tilespmem:$0x90]  }
0x25: {  	v1 =	vadd.f32 v2, v1  }
0x26: {  	v2 =	vld [tilespmem:$0xA0]  }
0x27: {  	v1 =	vadd.f32 v3, v1  }
0x28: {  	v3 =	vld [tilespmem:$0xB0]  }
0x29: {  	v1 =	vadd.f32 v45, v1  }
0x2a: {  	v46 =	vld [tilespmem:$0xC0]  }
0x2b: {  	v1 =	vadd.f32 v2, v1  }
0x2c: {  	v2 =	vld [tilespmem:$0xD0]  }
0x2d: {  	v1 =	vadd.f32 v3, v1  }
0x2e: {  	v3 =	vld [tilespmem:$0xE0]  }
0x2f: {  	v1 =	vadd.f32 v46, v1  }
0x30: {  	v47 =	vld [tilespmem:$0xF0]  }
0x31: {  	v1 =	vadd.f32 v2, v1  }
0x32: {  	v2 =	vld [tilespmem:$0x100]  }
0x33: {  	v1 =	vadd.f32 v3, v1  }
0x34: {  	v3 =	vld [tilespmem:$0x110]  }
0x35: {  	v1 =	vadd.f32 v47, v1  }
0x36: {  	v48 =	vld [tilespmem:$0x120]  }
0x37: {  	v1 =	vadd.f32 v2, v1  }
0x38: {  	v2 =	vld [tilespmem:$0x130]  }
0x39: {  	v1 =	vadd.f32 v3, v1  }
0x3a: {  	v3 =	vld [tilespmem:$0x140]  }
0x3b: {  	v1 =	vadd.f32 v48, v1  }
0x3c: {  	v49 =	vld [tilespmem:$0x150]  }
0x3d: {  	v1 =	vadd.f32 v2, v1  }
0x3e: {  	v2 =	vld [tilespmem:$0x160]  }
0x3f: {  	v1 =	vadd.f32 v3, v1  }
0x40: {  	v3 =	vld [tilespmem:$0x170]  }
0x41: {  	v1 =	vadd.f32 v49, v1  }
0x42: {  	v50 =	vld [tilespmem:$0x180]  }
0x43: {  	v1 =	vadd.f32 v2, v1  }
0x44: {  	v2 =	vld [tilespmem:$0x190]  }
0x45: {  	v1 =	vadd.f32 v3, v1  }
0x46: {  	v3 =	vld [tilespmem:$0x1A0]  }
0x47: {  	v1 =	vadd.f32 v50, v1  }
0x48: {  	v51 =	vld [tilespmem:$0x1B0]  }
0x49: {  	v1 =	vadd.f32 v2, v1  }
0x4a: {  	v2 =	vld [tilespmem:$0x1C0]  }
0x4b: {  	v1 =	vadd.f32 v3, v1  }
0x4c: {  	v3 =	vld [tilespmem:$0x1D0]  }
0x4d: {  	v1 =	vadd.f32 v51, v1  }
0x4e: {  	v52 =	vld [tilespmem:$0x1E0]  }
0x4f: {  	v1 =	vadd.f32 v2, v1  }
0x50: {  	v2 =	vld [tilespmem:$0x1F0]  }
0x51: {  	v1 =	vadd.f32 v3, v1  }
0x52: {  	v3 =	vld [tilespmem:$0x200]  }
0x53: {  	v1 =	vadd.f32 v52, v1  }
0x54: {  	v53 =	vld [tilespmem:$0x210]  }
0x55: {  	v1 =	vadd.f32 v2, v1  }
0x56: {  	v2 =	vld [tilespmem:$0x220]  }
0x57: {  	v1 =	vadd.f32 v3, v1  }
0x58: {  	v3 =	vld [tilespmem:$0x230]  }
0x59: {  	v1 =	vadd.f32 v53, v1  }
0x5a: {  	v54 =	vld [tilespmem:$0x240]  }
0x5b: {  	v1 =	vadd.f32 v2, v1  }
0x5c: {  	v2 =	vld [tilespmem:$0x250]  }
0x5d: {  	v1 =	vadd.f32 v3, v1  }
0x5e: {  	v3 =	vld [tilespmem:$0x260]  }
0x5f: {  	v1 =	vadd.f32 v54, v1  }
0x60: {  	v55 =	vld [tilespmem:$0x270]  }
0x61: {  	v1 =	vadd.f32 v2, v1  }
0x62: {  	v2 =	vld [tilespmem:$0x280]  }
0x63: {  	v1 =	vadd.f32 v3, v1  }
0x64: {  	v3 =	vld [tilespmem:$0x290]  }
0x65: {  	v1 =	vadd.f32 v55, v1  }
0x66: {  	v56 =	vld [tilespmem:$0x2A0]  }
0x67: {  	v1 =	vadd.f32 v2, v1  }
0x68: {  	v2 =	vld [tilespmem:$0x2B0]  }
0x69: {  	v1 =	vadd.f32 v3, v1  }
0x6a: {  	v3 =	vld [tilespmem:$0x2C0]  }
0x6b: {  	v1 =	vadd.f32 v56, v1  }
0x6c: {  	v57 =	vld [tilespmem:$0x2D0]  }
0x6d: {  	v1 =	vadd.f32 v2, v1  }
0x6e: {  	v2 =	vld [tilespmem:$0x2E0]  }
0x6f: {  	v1 =	vadd.f32 v3, v1  }
0x70: {  	v3 =	vld [tilespmem:$0x2F0]  }
0x71: {  	v1 =	vadd.f32 v57, v1  }
0x72: {  	v58 =	vld [tilespmem:$0x300]  }
0x73: {  	v1 =	vadd.f32 v2, v1  }
0x74: {  	v2 =	vld [tilespmem:$0x310]  }
0x75: {  	v1 =	vadd.f32 v3, v1  }
0x76: {  	v3 =	vld [tilespmem:$0x320]  }
0x77: {  	v1 =	vadd.f32 v58, v1  }
0x78: {  	v59 =	vld [tilespmem:$0x330]  }
0x79: {  	v1 =	vadd.f32 v2, v1  }
0x7a: {  	v2 =	vld [tilespmem:$0x340]  }
0x7b: {  	v1 =	vadd.f32 v3, v1  }
0x7c: {  	v3 =	vld [tilespmem:$0x350]  }
0x7d: {  	v1 =	vadd.f32 v59, v1  }
0x7e: {  	v60 =	vld [tilespmem:$0x360]  }
0x7f: {  	v1 =	vadd.f32 v2, v1  }
0x80: {  	v2 =	vld [tilespmem:$0x370]  }
0x81: {  	v1 =	vadd.f32 v3, v1  }
0x82: {  	v3 =	vld [tilespmem:$0x380]  }
0x83: {  	v1 =	vadd.f32 v60, v1  }
0x84: {  	v61 =	vld [tilespmem:$0x390]  }
0x85: {  	v1 =	vadd.f32 v2, v1  }
0x86: {  	v2 =	vld [tilespmem:$0x3A0]  }
0x87: {  	v1 =	vadd.f32 v3, v1  }
0x88: {  	v3 =	vld [tilespmem:$0x3B0]  }
0x89: {  	v1 =	vadd.f32 v61, v1  }
0x8a: {  	v62 =	vld [tilespmem:$0x3C0]  }
0x8b: {  	v1 =	vadd.f32 v2, v1  }
0x8c: {  	v2 =	vld [tilespmem:$0x3D0]  }
0x8d: {  	v1 =	vadd.f32 v3, v1  }
0x8e: {  	v3 =	vld [tilespmem:$0x3E0]  }
0x8f: {  	v5 =	vld [tilespmem:$0x400];
	v1 =	vadd.f32 v62, v1  }
0x90: {  	v63 =	vld [tilespmem:$0x3F0]  }
0x91: {  	v1 =	vadd.f32 v2, v1;
	_ =	sdelay $0x1  }
0x92: {  	v1 =	vadd.f32 v3, v1;
	_ =	sdelay $0x1  }
0x93: {  	v1 =	vadd.f32 v63, v1;
	_ =	sdelay $0x1  }
0x94: {  	v2 =	vld.idx.msk [tilespmem:v5+s2+$0x0], $0xffff;
	(xrf2) =	vadd.scan.msk.f32 $0xffff, v1;
	_ =	sdelay $0x4  }
0x95: {  	(erf) = vrcp.f32 v2;
	_ =	sdelay $0x4  }
0x96: {  	v1, _, _ =	vpop (xrf2)  }
0x97: {  	v1 =	vbroadcast v1, $0xF;
	_ =	sdelay $0x1  }
0x98: {  	v1 =	vmul.f32 v1, v0  }
0x99: {  	v2 =	vld [tilespmem:$0x410];
	v3 =	vpop (erf)  }
0x9a: {  	v3 =	vmul.f32 v1, v3;
	_ =	sdelay $0x1  }
0x9b: {  	vm0 =	veq.f32 v3, $+Inf  }
0x9c: {  	v3 =	vsel vm0, $0x7F7FFFFF, v3  }
0x9d: {  	vm0 =	veq.f32 v3, $-Inf  }
0x9e: {  	v3 =	vsel vm0, $0xFF7FFFFF, v3  }
0x9f: {  	[tilespmem:$0x480] =	vst v3  }
0xa0: {  	v2 =	vld.idx.msk [tilespmem:v2+s2+$0x0], $0xffff;
	_ =	sdelay $0x4  }
0xa1: {  	(erf) = vrcp.f32 v2;
	_ =	sdelay $0x8  }
0xa2: {  	v2 =	vpop (erf)  }
0xa3: {  	s8 =	ssub.s32 $0x2, s8;
	v1 =	vmul.f32 v2, v1  }
0xa4: {  	s10 =	sshrl.u32 s8, $0x1  }
0xa5: {  	s8 =	ssub.s32 s8, s10;
	vm15 =	veq.f32 v1, $+Inf  }
0xa6: {  	s31 =	smax.u32 s8, $0x1;
	v1 =	vsel vm15, $0x7F7FFFFF, v1  }
0xa7: {  	p0 =	sne.s32 s31, $0x1;
	vm0 =	veq.f32 v1, $-Inf  }
.Ltmp0:
0xa8: {  	v1 =	vsel vm0, $0xFF7FFFFF, v1;
	(pc) =	sbr.rel @!p0 .LBB2_2-.Ltmp0, $4  }
0xa9: {  	s7 =	sadd.s32 s7, s9;
	s8 =	simm.s32 $0x480;
	[tilespmem:$0x490] =	vst v1  }
0xaa: {  	[hbm4b:s7+s2] =	stream.linear.scatter [tilespmem:s8], [sflag:$0x1], $0x20, $0x38;
	[tilespmem:$0x500] =	vst v63  }
0xab: {  	_ =	swait.ge [sflag:s4], $0x20  }
0xac: {  	s9 =	sadd.s32 $0xFFFFFFFF, s31;
	[sflag:s4] =	ssyncset.done $0x0  }
.LBB2_1:
0xad: {  	p0 =	sne.s32 s9, $0x1;
	s9 =	sadd.s32 $0xFFFFFFFF, s9;
	[sflag:s4] =	ssyncadd.s32 $0xFFFFFFE0  }
0xae: {  	[tilespmem:s2], [sflag:$0x1] =	stream.linear.gather [hbm4b:s1+s2], $0x400, $0x38;
	[tilespmem:$0x500] =	vst v63  }
0xaf: {  	_ =	swait.ge [sflag:s4], $0x400  }
0xb0: {  	[sflag:s4] =	ssyncset.done $0x0  }
0xb1: {  	[sflag:s4] =	ssyncadd.s32 $0xFFFFFC00  }
0xb2: {  	[tilespmem:s6], [sflag:$0x1] =	stream.linear.gather [hbm4b:s5+s2], $0x20, $0x38;
	[tilespmem:$0x500] =	vst v63  }
0xb3: {  	_ =	swait.ge [sflag:s4], $0x20  }
0xb4: {  	[sflag:s4] =	ssyncset.done $0x0  }
0xb5: {  	[sflag:s4] =	ssyncadd.s32 $0xFFFFFFE0  }
0xb6: {  	v2 =	vld [tilespmem:$0x0]  }
0xb7: {  	v1 =	vld [tilespmem:$0x400]  }
0xb8: {  	v3 =	vld [tilespmem:$0x10];
	_ =	sdelay $0x1  }
0xb9: {  	v4 =	vld [tilespmem:$0x20]  }
0xba: {  	v2 =	vadd.f32 $0.0e+00, v2  }
0xbb: {  	v5 =	vld [tilespmem:$0x30]  }
0xbc: {  	v2 =	vadd.f32 v3, v2  }
0xbd: {  	v3 =	vld [tilespmem:$0x40]  }
0xbe: {  	v2 =	vadd.f32 v4, v2  }
0xbf: {  	v4 =	vld [tilespmem:$0x50]  }
0xc0: {  	v2 =	vadd.f32 v5, v2  }
0xc1: {  	v5 =	vld [tilespmem:$0x60]  }
0xc2: {  	v2 =	vadd.f32 v3, v2  }
0xc3: {  	v3 =	vld [tilespmem:$0x70]  }
0xc4: {  	v2 =	vadd.f32 v4, v2  }
0xc5: {  	v4 =	vld [tilespmem:$0x80]  }
0xc6: {  	v2 =	vadd.f32 v5, v2  }
0xc7: {  	v5 =	vld [tilespmem:$0x90]  }
0xc8: {  	v2 =	vadd.f32 v3, v2  }
0xc9: {  	v3 =	vld [tilespmem:$0xA0]  }
0xca: {  	v2 =	vadd.f32 v4, v2  }
0xcb: {  	v4 =	vld [tilespmem:$0xB0]  }
0xcc: {  	v2 =	vadd.f32 v5, v2  }
0xcd: {  	v5 =	vld [tilespmem:$0xC0]  }
0xce: {  	v2 =	vadd.f32 v3, v2  }
0xcf: {  	v3 =	vld [tilespmem:$0xD0]  }
0xd0: {  	v2 =	vadd.f32 v4, v2  }
0xd1: {  	v4 =	vld [tilespmem:$0xE0]  }
0xd2: {  	v2 =	vadd.f32 v5, v2  }
0xd3: {  	v5 =	vld [tilespmem:$0xF0]  }
0xd4: {  	v2 =	vadd.f32 v3, v2  }
0xd5: {  	v3 =	vld [tilespmem:$0x100]  }
0xd6: {  	v2 =	vadd.f32 v4, v2  }
0xd7: {  	v4 =	vld [tilespmem:$0x110]  }
0xd8: {  	v2 =	vadd.f32 v5, v2  }
0xd9: {  	v5 =	vld [tilespmem:$0x120]  }
0xda: {  	v2 =	vadd.f32 v3, v2  }
0xdb: {  	v3 =	vld [tilespmem:$0x130]  }
0xdc: {  	v2 =	vadd.f32 v4, v2  }
0xdd: {  	v4 =	vld [tilespmem:$0x140]  }
0xde: {  	v2 =	vadd.f32 v5, v2  }
0xdf: {  	v5 =	vld [tilespmem:$0x150]  }
0xe0: {  	v2 =	vadd.f32 v3, v2  }
0xe1: {  	v3 =	vld [tilespmem:$0x160]  }
0xe2: {  	v2 =	vadd.f32 v4, v2  }
0xe3: {  	v4 =	vld [tilespmem:$0x170]  }
0xe4: {  	v2 =	vadd.f32 v5, v2  }
0xe5: {  	v5 =	vld [tilespmem:$0x180]  }
0xe6: {  	v2 =	vadd.f32 v3, v2  }
0xe7: {  	v3 =	vld [tilespmem:$0x190]  }
0xe8: {  	v2 =	vadd.f32 v4, v2  }
0xe9: {  	v4 =	vld [tilespmem:$0x1A0]  }
0xea: {  	v2 =	vadd.f32 v5, v2  }
0xeb: {  	v5 =	vld [tilespmem:$0x1B0]  }
0xec: {  	v2 =	vadd.f32 v3, v2  }
0xed: {  	v3 =	vld [tilespmem:$0x1C0]  }
0xee: {  	v2 =	vadd.f32 v4, v2  }
0xef: {  	v4 =	vld [tilespmem:$0x1D0]  }
0xf0: {  	v2 =	vadd.f32 v5, v2  }
0xf1: {  	v5 =	vld [tilespmem:$0x1E0]  }
0xf2: {  	v2 =	vadd.f32 v3, v2  }
0xf3: {  	v3 =	vld [tilespmem:$0x1F0]  }
0xf4: {  	v2 =	vadd.f32 v4, v2  }
0xf5: {  	v4 =	vld [tilespmem:$0x200]  }
0xf6: {  	v2 =	vadd.f32 v5, v2  }
0xf7: {  	v5 =	vld [tilespmem:$0x210]  }
0xf8: {  	v2 =	vadd.f32 v3, v2  }
0xf9: {  	v3 =	vld [tilespmem:$0x220]  }
0xfa: {  	v2 =	vadd.f32 v4, v2  }
0xfb: {  	v4 =	vld [tilespmem:$0x230]  }
0xfc: {  	v2 =	vadd.f32 v5, v2  }
0xfd: {  	v5 =	vld [tilespmem:$0x240]  }
0xfe: {  	v2 =	vadd.f32 v3, v2  }
0xff: {  	v3 =	vld [tilespmem:$0x250]  }
0x100: {  	v2 =	vadd.f32 v4, v2  }
0x101: {  	v4 =	vld [tilespmem:$0x260]  }
0x102: {  	v2 =	vadd.f32 v5, v2  }
0x103: {  	v5 =	vld [tilespmem:$0x270]  }
0x104: {  	v2 =	vadd.f32 v3, v2  }
0x105: {  	v3 =	vld [tilespmem:$0x280]  }
0x106: {  	v2 =	vadd.f32 v4, v2  }
0x107: {  	v4 =	vld [tilespmem:$0x290]  }
0x108: {  	v2 =	vadd.f32 v5, v2  }
0x109: {  	v5 =	vld [tilespmem:$0x2A0]  }
0x10a: {  	v2 =	vadd.f32 v3, v2  }
0x10b: {  	v3 =	vld [tilespmem:$0x2B0]  }
0x10c: {  	v2 =	vadd.f32 v4, v2  }
0x10d: {  	v4 =	vld [tilespmem:$0x2C0]  }
0x10e: {  	v2 =	vadd.f32 v5, v2  }
0x10f: {  	v5 =	vld [tilespmem:$0x2D0]  }
0x110: {  	v2 =	vadd.f32 v3, v2  }
0x111: {  	v3 =	vld [tilespmem:$0x2E0]  }
0x112: {  	v2 =	vadd.f32 v4, v2  }
0x113: {  	v4 =	vld [tilespmem:$0x2F0]  }
0x114: {  	v2 =	vadd.f32 v5, v2  }
0x115: {  	v5 =	vld [tilespmem:$0x300]  }
0x116: {  	v2 =	vadd.f32 v3, v2  }
0x117: {  	v3 =	vld [tilespmem:$0x310]  }
0x118: {  	v2 =	vadd.f32 v4, v2  }
0x119: {  	v4 =	vld [tilespmem:$0x320]  }
0x11a: {  	v2 =	vadd.f32 v5, v2  }
0x11b: {  	v5 =	vld [tilespmem:$0x330]  }
0x11c: {  	v2 =	vadd.f32 v3, v2  }
0x11d: {  	v3 =	vld [tilespmem:$0x340]  }
0x11e: {  	v2 =	vadd.f32 v4, v2  }
0x11f: {  	v4 =	vld [tilespmem:$0x350]  }
0x120: {  	v2 =	vadd.f32 v5, v2  }
0x121: {  	v5 =	vld [tilespmem:$0x360]  }
0x122: {  	v2 =	vadd.f32 v3, v2  }
0x123: {  	v3 =	vld [tilespmem:$0x370]  }
0x124: {  	v2 =	vadd.f32 v4, v2  }
0x125: {  	v4 =	vld [tilespmem:$0x380]  }
0x126: {  	v2 =	vadd.f32 v5, v2  }
0x127: {  	v5 =	vld [tilespmem:$0x390]  }
0x128: {  	v2 =	vadd.f32 v3, v2  }
0x129: {  	v3 =	vld [tilespmem:$0x3A0]  }
0x12a: {  	v2 =	vadd.f32 v4, v2  }
0x12b: {  	v4 =	vld [tilespmem:$0x3B0]  }
0x12c: {  	v2 =	vadd.f32 v5, v2  }
0x12d: {  	v5 =	vld [tilespmem:$0x3C0]  }
0x12e: {  	v2 =	vadd.f32 v3, v2  }
0x12f: {  	v3 =	vld [tilespmem:$0x3D0]  }
0x130: {  	v2 =	vadd.f32 v4, v2  }
0x131: {  	v4 =	vld [tilespmem:$0x3E0]  }
0x132: {  	v2 =	vadd.f32 v5, v2  }
0x133: {  	v5 =	vld [tilespmem:$0x3F0]  }
0x134: {  	v2 =	vadd.f32 v3, v2;
	_ =	sdelay $0x1  }
0x135: {  	v2 =	vadd.f32 v4, v2;
	_ =	sdelay $0x1  }
0x136: {  	v2 =	vadd.f32 v5, v2  }
0x137: {  	v1 =	vld.idx.msk [tilespmem:v1+s2+$0x0], $0xffff  }
0x138: {  	(xrf2) =	vadd.scan.msk.f32 $0xffff, v2;
	_ =	sdelay $0x4  }
0x139: {  	(erf) = vrcp.f32 v1;
	_ =	sdelay $0x4  }
0x13a: {  	v1, _, _ =	vpop (xrf2)  }
0x13b: {  	v1 =	vbroadcast v1, $0xF;
	_ =	sdelay $0x1  }
0x13c: {  	v1 =	vmul.f32 v1, v0  }
0x13d: {  	v2 =	vld [tilespmem:$0x410];
	v3 =	vpop (erf)  }
0x13e: {  	v3 =	vmul.f32 v1, v3;
	_ =	sdelay $0x1  }
0x13f: {  	vm0 =	veq.f32 v3, $+Inf  }
0x140: {  	v3 =	vsel vm0, $0x7F7FFFFF, v3  }
0x141: {  	vm0 =	veq.f32 v3, $-Inf  }
0x142: {  	v3 =	vsel vm0, $0xFF7FFFFF, v3  }
0x143: {  	[tilespmem:$0x480] =	vst v3  }
0x144: {  	v2 =	vld.idx.msk [tilespmem:v2+s2+$0x0], $0xffff;
	_ =	sdelay $0x5  }
0x145: {  	(erf) = vrcp.f32 v2;
	_ =	sdelay $0x8  }
0x146: {  	v2 =	vpop (erf)  }
0x147: {  	v1 =	vmul.f32 v2, v1;
	_ =	sdelay $0x1  }
0x148: {  	vm0 =	veq.f32 v1, $+Inf  }
0x149: {  	v1 =	vsel vm0, $0x7F7FFFFF, v1  }
0x14a: {  	vm0 =	veq.f32 v1, $-Inf  }
.Ltmp1:
0x14b: {  	v1 =	vsel vm0, $0xFF7FFFFF, v1;
	(pc) =	sbr.rel @p0 .LBB2_1-.Ltmp1, $4  }
0x14c: {  	[tilespmem:$0x490] =	vst v1  }
0x14d: {  	[hbm4b:s7+s2] =	stream.linear.scatter [tilespmem:s8], [sflag:$0x1], $0x20, $0x38;
	[tilespmem:$0x500] =	vst v63  }
0x14e: {  	_ =	swait.ge [sflag:s4], $0x20  }
0x14f: {  	[sflag:s4] =	ssyncset.done $0x0  }
.LBB2_2:
0x150: {  	[sflag:s4] =	ssyncadd.s32 $0xFFFFFFE0  }
0x151: {  	_ =	sfence.sel $0x180000  }
0x152: {  	[bflag:$0x0] =	sbarrier.arrive $0xFFFF  }
0x153: {  	p0 =	sne.s32 s3, $0x0;
	_ =	strace $0x90000047  }
0x154: {  	s0 =	sadd.s32 @!p0 $0x100000, s0;
	[bflag:$0x2] =	sbarrier.arrive $0xFFFF  }
0x155: {  	[sflag:s0] =	ssyncadd.tile.s32 @!p0 $0x1;
	_ =	shalt  }
.Lfunc_end2:
_tile_overlayer_lowered:
.L_overlay_start_2:
0x156: {  	(tag) =	ssettag $0x2  }
0x157: {  	s0 =	rddreg [dreg:$0x0];
	s2 =	stileid.u32  }
0x158: {  	s1 =	rddreg [dreg:$0x1];
	p0 =	sne.s32 s2, $0x0  }
0x159: {  	s3 =	rddreg [dreg:$0x2];
	[bflag:$0x3] =	sbarrier.arrive $0xFFFF;
	s2 =	simm.s32 @!p0 $0x1C01  }
0x15a: {  	[timem:s3], [sflag:s2] =	dma.local @!p0 [hbm:s0], s1  }
0x15b: {  	s0 =	simm.s32 @!p0 $0x1  }
0x15c: {  	_ =	swait.ge @!p0 [sflag:s0], s1  }
0x15d: {  	s1 =	ssub.s32 @!p0 $0x0, s1;
	[sflag:s0] =	ssyncset.done @!p0 $0x0  }
0x15e: {  	[sflag:s0] =	ssyncadd.s32 @!p0 s1  }
0x15f: {  	[bflag:$0x3] =	sbarrier.arrive $0xFFFF  }
0x160: {  	_ =	shalt  }

</sc_bundles>
